<compile_context>
chip_gen: v7x
topology: tpu7x:2x2x1
jax: 0.10.2.dev20260603
libtpu: 0.0.44.dev20260713+nightly
codegen_flags: <defaults>
</compile_context>

<pallas_src>
import functools

import jax
import jax.numpy as jnp
from jax import lax
from jax.experimental import pallas as pl
from jax.experimental.pallas import tpu as pltpu
from jax.experimental.pallas import tpu_sc as plsc

_NC = 2
_NS = 16
_NW = _NC * _NS
_L = 16

_N = 10000
_E = 320000
_D = 128

_CH = 128
_NSUB = 4
_KP = 40
_NPH0 = 3
_NPH1 = 1
_K0 = _NPH0 * _KP
_K1 = _NPH1 * _KP
_TOTC = _NS * (_K0 + _K1)
_EPT = (_K0 + _K1) * _CH
_EPAD = _TOTC * _CH
_EPD = _EPAD // _NW
_ACC = 10240
_RPT = _ACC // _NS

_mesh = plsc.VectorSubcoreMesh(
    core_axis_name="c", subcore_axis_name="s", num_cores=_NC, num_subcores=_NS
)


@functools.partial(
    pl.kernel,
    out_type=jax.ShapeDtypeStruct((_NW, _ACC), jnp.float32),
    mesh=_mesh,
    scratch_types=[
        pltpu.VMEM((_EPD,), jnp.int32),
        pltpu.VMEM((_ACC,), jnp.float32),
    ],
    compiler_params=pltpu.CompilerParams(needs_layout_passes=False),
)
def _deg_kernel(dst_hbm, out_hbm, dstv, degv):
    c = lax.axis_index("c")
    s = lax.axis_index("s")
    w = c * _NS + s
    pltpu.sync_copy(dst_hbm.at[pl.ds(w * _EPD, _EPD)], dstv)

    zeros = jnp.zeros((_L,), jnp.float32)

    @pl.loop(0, _ACC // _L)
    def _zero(i):
        degv[pl.ds(i * _L, _L)] = zeros

    ones = jnp.ones((_L,), jnp.float32)

    @pl.loop(0, _EPD // _L)
    def _hist(i):
        idx = dstv[pl.ds(i * _L, _L)]
        plsc.addupdate_scatter(degv, [idx], ones)

    pltpu.sync_copy(degv, out_hbm.at[w])


def _dis_body(parts_ref, dis_ref):
    deg = jnp.sum(parts_ref[...], axis=0) + 1.0
    dis_ref[...] = lax.rsqrt(deg)


def _dis_kernel(parts):
    return pl.pallas_call(
        _dis_body,
        out_shape=jax.ShapeDtypeStruct((_ACC // 128, 128), jnp.float32),
    )(parts.reshape(_NW, _ACC // 128, 128))


def _matmul_body(x_ref, w_ref, h_ref):
    h_ref[...] = lax.dot_general(
        x_ref[...], w_ref[...],
        dimension_numbers=(((1,), (1,)), ((), ())),
        preferred_element_type=jnp.float32,
    )


def _matmul_kernel(x, w):
    bm = 1000
    return pl.pallas_call(
        _matmul_body,
        grid=(_N // bm,),
        in_specs=[
            pl.BlockSpec((bm, _D), lambda i: (i, 0)),
            pl.BlockSpec((_D, _D), lambda i: (0, 0)),
        ],
        out_specs=pl.BlockSpec((bm, _D), lambda i: (i, 0)),
        out_shape=jax.ShapeDtypeStruct((_N, _D), jnp.float32),
    )(x, w)


def _scale_body(h_ref, dis_ref, g_ref):
    g_ref[...] = h_ref[...] * dis_ref[...]


def _scale_kernel(h, dis):
    bm = 1000
    row = pl.BlockSpec((bm, _D), lambda i: (i, 0))
    return pl.pallas_call(
        _scale_body,
        grid=(_N // bm,),
        in_specs=[row, pl.BlockSpec((bm, 1), lambda i: (i, 0))],
        out_specs=row,
        out_shape=jax.ShapeDtypeStruct((_N, _D), jnp.float32),
    )(h, dis)


@functools.partial(
    pl.kernel,
    out_type=jax.ShapeDtypeStruct((_NC, _ACC, _D), jnp.float32),
    mesh=_mesh,
    scratch_types=[
        pltpu.VMEM((_KP, _CH), jnp.int32),
        pltpu.VMEM((_KP, _CH), jnp.int32),

        pltpu.VMEM((_CH, _D), jnp.float32),
        pltpu.VMEM((_CH, _D), jnp.float32),
        pltpu.VMEM_SHARED((_ACC, _D), jnp.float32),
        pltpu.SemaphoreType.DMA,
        pltpu.SemaphoreType.DMA,
    ],
)
def _scatter_kernel(g_hbm, src_hbm, dst_hbm, out_hbm,
                    srcv, dstv, buf0, buf1, acc, sem0, sem1):
    c = lax.axis_index("c")
    s = lax.axis_index("s")
    base = jnp.where(c == 0, s * _K0, _NS * _K0 + s * _K1)
    nph = jnp.where(c == 0, _NPH0, _NPH1)

    zeros = jnp.zeros((_L,), jnp.float32)

    @pl.loop(0, _CH * _D // _L)
    def _zero(i):
        r = i >> 3
        col = (i & 7) * _L
        buf0[r, pl.ds(col, _L)] = zeros

    @pl.loop(0, _RPT // _CH)
    def _zacc(i):
        pltpu.sync_copy(buf0, acc.at[pl.ds(s * _RPT + i * _CH, _CH)])

    plsc.subcore_barrier()

    def _start(j, buf, sem):
        sub = _CH // _NSUB
        for q in range(_NSUB):
            pltpu.async_copy(
                g_hbm.at[srcv.at[j, pl.ds(q * sub, sub)]],
                buf.at[pl.ds(q * sub, sub)],
                sem,
            )

    def _wait(buf, sem):
        pltpu.make_async_copy(g_hbm.at[srcv.at[0]], buf, sem).wait()

    @pl.loop(0, nph)
    def _phase(p):
        pltpu.sync_copy(src_hbm.at[pl.ds(base + p * _KP, _KP)], srcv)
        pltpu.sync_copy(dst_hbm.at[pl.ds(base + p * _KP, _KP)], dstv)

        _start(0, buf0, sem0)
        _start(1, buf1, sem1)

        @pl.loop(0, _KP // 2)
        def _edges(i):
            j0 = 2 * i
            _wait(buf0, sem0)
            pltpu.sync_copy(buf0, acc.at[dstv.at[j0]], add=True)

            @pl.when(j0 + 2 < _KP)
            def _():
                _start(j0 + 2, buf0, sem0)

            j1 = 2 * i + 1
            _wait(buf1, sem1)
            pltpu.sync_copy(buf1, acc.at[dstv.at[j1]], add=True)

            @pl.when(j1 + 2 < _KP)
            def _():
                _start(j1 + 2, buf1, sem1)

    plsc.subcore_barrier()
    pltpu.sync_copy(acc.at[pl.ds(s * _RPT, _RPT)],
                    out_hbm.at[c, pl.ds(s * _RPT, _RPT)])


def _final_body(p0_ref, p1_ref, g_ref, dis_ref, b_ref, out_ref):
    out_ref[...] = (
        dis_ref[...] * (p0_ref[...] + p1_ref[...] + g_ref[...]) + b_ref[...]
    )


def _final_kernel(p0, p1, g, dis, b):
    bm = 1000
    row = pl.BlockSpec((bm, _D), lambda i: (i, 0))
    return pl.pallas_call(
        _final_body,
        grid=(_N // bm,),
        in_specs=[
            row, row, row,
            pl.BlockSpec((bm, 1), lambda i: (i, 0)),
            pl.BlockSpec((1, _D), lambda i: (0, 0)),
        ],
        out_specs=row,
        out_shape=jax.ShapeDtypeStruct((_N, _D), jnp.float32),
    )(p0, p1, g, dis, b)


def kernel(x, edge_index, W, b):
    src = edge_index[0].astype(jnp.int32)
    dst = edge_index[1].astype(jnp.int32)
    npad = _EPAD - _E
    src_p = jnp.concatenate([src, jnp.zeros((npad,), jnp.int32)])
    dst_p = jnp.concatenate([dst, jnp.full((npad,), _N, jnp.int32)])

    h = _matmul_kernel(x, W)
    deg_parts = _deg_kernel(dst_p)
    dis2d = _dis_kernel(deg_parts)
    dis = dis2d.reshape(-1)[:_N, None]
    g = _scale_kernel(h, dis)
    parts = _scatter_kernel(
        g, src_p.reshape(_TOTC, _CH), dst_p.reshape(_TOTC, _CH)
    )
    out = _final_kernel(parts[0, :_N], parts[1, :_N], g, dis, b.reshape(1, _D))
    return out

# --- scband reference (transcript-rebuilt; emitter-appended) ---
"""Pipeline reference for scband-gcn-layer-34591666602118 (READ-ONLY COPY).

The authoritative reference and input builder live on the scoring server;
editing this copy changes nothing except your own understanding.
"""

import jax, jax.numpy as jnp
import numpy as np

N = 10000
E = 320000
D = 128


def setup_inputs(seed: int = 0) -> dict:
    key = jax.random.key(seed)
    k1, k2, k3 = jax.random.split(key, 3)
    x = jax.random.normal(k1, (N, D), dtype=jnp.float32)
    edge_index = jax.random.randint(k2, (2, E), 0, N)
    # GCNConv parameters: lin.weight [out, in] (glorot), bias [out] (zeros init)
    limit = np.sqrt(6.0 / (D + D))
    W = jax.random.uniform(k3, (D, D), dtype=jnp.float32, minval=-limit, maxval=limit)
    b = jnp.zeros((D,), dtype=jnp.float32)
    return {"x": x, "edge_index": edge_index, "W": W, "b": b}


def reference(x, edge_index, W, b):
    # Faithful GCNConv (torch_geometric) forward:
    # 1) linear transform, 2) add self-loops, 3) symmetric gcn_norm,
    # 4) gather-from-source / scatter-add-to-target, 5) add bias.
    n = x.shape[0]
    h = x @ W.T
    src = edge_index[0]
    dst = edge_index[1]
    loop = jnp.arange(n, dtype=src.dtype)
    src = jnp.concatenate([src, loop], axis=0)
    dst = jnp.concatenate([dst, loop], axis=0)
    edge_weight = jnp.ones(src.shape[0], dtype=h.dtype)
    # deg computed over target nodes (col) as in gcn_norm
    deg = jnp.zeros((n,), dtype=h.dtype).at[dst].add(edge_weight)
    deg_inv_sqrt = jnp.where(deg > 0, deg ** -0.5, 0.0)
    norm = deg_inv_sqrt[src] * edge_weight * deg_inv_sqrt[dst]
    msg = h[src] * norm[:, None]
    out = jnp.zeros((n, h.shape[1]), dtype=h.dtype).at[dst].add(msg)
    return out + b

if __name__ == "__main__":
    import jax
    _d = setup_inputs()
    print(jax.jit(kernel)(*tuple(_d.values())))

</pallas_src>

<mosaic_0001>
#map = affine_map<(d0, d1) -> (0, 0)>
#map1 = affine_map<(d0, d1) -> (0, 0, 0)>
module attributes {stable_mosaic.version = 14 : i64} {
  func.func @_scatter_kernel(%arg0: i32, %arg1: i32, %arg2: memref<10000x128xf32, #tpu.memory_space<hbm>>, %arg3: memref<2560x128xi32, #tpu.memory_space<hbm>>, %arg4: memref<2560x128xi32, #tpu.memory_space<hbm>>, %arg5: memref<2x10240x128xf32, #tpu.memory_space<hbm>>, %arg6: memref<40x128xi32, #tpu.memory_space<vmem>>, %arg7: memref<40x128xi32, #tpu.memory_space<vmem>>, %arg8: memref<128x128xf32, #tpu.memory_space<vmem>>, %arg9: memref<128x128xf32, #tpu.memory_space<vmem>>, %arg10: memref<10240x128xf32, #tpu.memory_space<vmem_shared>>, %arg11: memref<!tpu.dma_semaphore, #tpu.memory_space<semaphore_mem>>, %arg12: memref<!tpu.dma_semaphore, #tpu.memory_space<semaphore_mem>>) attributes {dimension_semantics = [#tpu.dimension_semantics<core_parallel>, #tpu.dimension_semantics<subcore_parallel>], iteration_bounds = array<i64: 2, 16>, scalar_prefetch = 0 : i64, scratch_operands = 7 : i64, tpu.core_type = #tpu.core_type<sc_vector_subcore>, window_params = [{transform_indices = #map}, {transform_indices = #map}, {transform_indices = #map}, {transform_indices = #map1}]} {
    %eq3A = arith.constant 0 : i32
    %eq3A_0 = arith.cmpi eq, %arg0, %eq3A : i32
    %mul3A = arith.constant 120 : i32
    %mul3A_1 = arith.muli %arg1, %mul3A : i32
    %mul3A_2 = arith.constant 40 : i32
    %mul3A_3 = arith.muli %arg1, %mul3A_2 : i32
    %add3A = arith.constant 1920 : i32
    %add3A_4 = arith.addi %add3A, %mul3A_3 : i32
    %select_n3A = arith.select %eq3A_0, %mul3A_1, %add3A_4 : i32
    %eq3A_5 = arith.constant 0 : i32
    %eq3A_6 = arith.cmpi eq, %arg0, %eq3A_5 : i32
    %jit3A = arith.constant 3 : i32
    %jit3A_7 = arith.constant 1 : i32
    %select_n3A_8 = arith.select %eq3A_6, %jit3A, %jit3A_7 : i32
    %broadcast_in_dim3A = arith.constant 0.000000e+00 : f32
    %broadcast_in_dim3A_9 = vector.broadcast %broadcast_in_dim3A : f32 to vector<16xf32>
    %scan3A = arith.constant 0 : i32
    %scan3A_10 = arith.constant 1024 : i32
    %scan3A_11 = arith.addi %scan3A, %scan3A_10 : i32
    %scan3A_12 = arith.constant 1 : i32
    scf.for %scan3A_40 = %scan3A to %scan3A_11 step %scan3A_12  : i32 {
      %mul3A_41 = arith.constant 1 : i32
      %mul3A_42 = arith.muli %scan3A_40, %mul3A_41 : i32
      %add3A_43 = arith.constant 0 : i32
      %add3A_44 = arith.addi %add3A_43, %mul3A_42 : i32
      %shift_right_arithmetic3A = arith.constant 3 : i32
      %shift_right_arithmetic3A_45 = arith.shrsi %add3A_44, %shift_right_arithmetic3A : i32
      %and3A = arith.constant 7 : i32
      %and3A_46 = arith.andi %add3A_44, %and3A : i32
      %mul3A_47 = arith.constant 16 : i32
      %mul3A_48 = arith.muli %and3A_46, %mul3A_47 : i32
      %swap3A = arith.index_cast %shift_right_arithmetic3A_45 : i32 to index
      %swap3A_49 = arith.index_cast %mul3A_48 : i32 to index
      %swap3A_50 = tpu.vector_load %arg8[%swap3A, %swap3A_49] {strides = array<i32>} : memref<128x128xf32, #tpu.memory_space<vmem>>, vector<1x16xf32>,
      %swap3A_51 = vector.shape_cast %swap3A_50 : vector<1x16xf32> to vector<16xf32>
      %swap3A_52 = vector.shape_cast %broadcast_in_dim3A_9 : vector<16xf32> to vector<1x16xf32>
      tpu.vector_store %arg8[%swap3A, %swap3A_49], %swap3A_52 {strides = array<i32>} : memref<128x128xf32, #tpu.memory_space<vmem>>, vector<1x16xf32>,
    }
    %scan3A_13 = arith.constant 1024 : i32
    %scan3A_14 = arith.constant 0 : i32
    %scan3A_15 = arith.constant 5 : i32
    %scan3A_16 = arith.addi %scan3A_14, %scan3A_15 : i32
    %scan3A_17 = arith.constant 1 : i32
    scf.for %scan3A_40 = %scan3A_14 to %scan3A_16 step %scan3A_17  : i32 {
      %mul3A_41 = arith.constant 1 : i32
      %mul3A_42 = arith.muli %scan3A_40, %mul3A_41 : i32
      %add3A_43 = arith.constant 0 : i32
      %add3A_44 = arith.addi %add3A_43, %mul3A_42 : i32
      %mul3A_45 = arith.constant 640 : i32
      %mul3A_46 = arith.muli %arg1, %mul3A_45 : i32
      %mul3A_47 = arith.constant 128 : i32
      %mul3A_48 = arith.muli %add3A_44, %mul3A_47 : i32
      %add3A_49 = arith.addi %mul3A_46, %mul3A_48 : i32
      "tpu.region"() ({
        %run_scoped3A = tpu.sem_alloc : memref<!tpu.dma_semaphore, #tpu.memory_space<semaphore_mem>>
        %dma_start3A = arith.constant 0 : i32
        %dma_start3A_50 = tpu.memref_slice %arg10[%add3A_49, %dma_start3A] : memref<10240x128xf32, #tpu.memory_space<vmem_shared>> -> memref<128x128xf32, #tpu.memory_space<vmem_shared>>
        %dma_start3A_51 = arith.constant 0 : i32
        %dma_start3A_52 = tpu.memref_slice %arg10[%add3A_49, %dma_start3A_51] : memref<10240x128xf32, #tpu.memory_space<vmem_shared>> -> memref<128x128xf32, #tpu.memory_space<vmem_shared>>
        tpu.enqueue_dma source(%arg8 : memref<128x128xf32, #tpu.memory_space<vmem>>) target(%dma_start3A_52 : memref<128x128xf32, #tpu.memory_space<vmem_shared>>) target_semaphore(%run_scoped3A : memref<!tpu.dma_semaphore, #tpu.memory_space<semaphore_mem>>)
        %dma_wait3A = arith.constant 0 : i32
        %dma_wait3A_53 = tpu.memref_slice %arg10[%add3A_49, %dma_wait3A] : memref<10240x128xf32, #tpu.memory_space<vmem_shared>> -> memref<128x128xf32, #tpu.memory_space<vmem_shared>>
        %dma_wait3A_54 = arith.constant 0 : i32
        %dma_wait3A_55 = tpu.memref_slice %arg10[%add3A_49, %dma_wait3A_54] : memref<10240x128xf32, #tpu.memory_space<vmem_shared>> -> memref<128x128xf32, #tpu.memory_space<vmem_shared>>
        tpu.wait_dma2 semaphore(%run_scoped3A : memref<!tpu.dma_semaphore, #tpu.memory_space<semaphore_mem>>) src(%arg8 : memref<128x128xf32, #tpu.memory_space<vmem>>) dst(%dma_wait3A_55 : memref<128x128xf32, #tpu.memory_space<vmem_shared>>)
        tpu.yield
      }) : () -> ()
    }
    %scan3A_18 = arith.constant 5 : i32
    %barrier3A = arith.constant 0 : index
    tpu.barrier barrier_id(%barrier3A)
    %sub3A = arith.constant 0 : i32
    %sub3A_19 = arith.subi %select_n3A_8, %sub3A : i32
    %sub3A_20 = arith.constant 1 : i32
    %sub3A_21 = arith.constant 1 : i32
    %sub3A_22 = arith.subi %sub3A_20, %sub3A_21 : i32
    %add3A_23 = arith.addi %sub3A_19, %sub3A_22 : i32
    %div3A = arith.constant 1 : i32
    %div3A_24 = arith.divsi %add3A_23, %div3A : i32
    %while3A = arith.constant 1 : i32
    %while3A_25 = arith.constant 0 : i32
    %while3A_26 = arith.constant 0 : i32
    %while3A_27 = arith.subi %div3A_24, %while3A_26 : i32
    %while3A_28 = arith.addi %while3A_26, %while3A_27 : i32
    %while3A_29 = arith.constant 1 : i32
    %while3A_30 = arith.divsi %while3A_27, %while3A_29 : i32
    %while3A_31 = arith.muli %while3A_30, %while3A_29 : i32
    %while3A_32 = arith.addi %while3A_26, %while3A_31 : i32
    %while3A_33 = arith.constant 1 : i32
    scf.for %while3A_40 = %while3A_26 to %while3A_32 step %while3A_33  : i32 {
      %mul3A_41 = arith.muli %while3A_40, %while3A : i32
      %add3A_42 = arith.addi %while3A_25, %mul3A_41 : i32
      %mul3A_43 = arith.constant 40 : i32
      %mul3A_44 = arith.muli %add3A_42, %mul3A_43 : i32
      %add3A_45 = arith.addi %select_n3A, %mul3A_44 : i32
      "tpu.region"() ({
        %run_scoped3A = tpu.sem_alloc : memref<!tpu.dma_semaphore, #tpu.memory_space<semaphore_mem>>
        %dma_start3A_133 = arith.constant 0 : i32
        %dma_start3A_134 = tpu.memref_slice %arg3[%add3A_45, %dma_start3A_133] : memref<2560x128xi32, #tpu.memory_space<hbm>> -> memref<40x128xi32, #tpu.memory_space<hbm>>
        %dma_start3A_135 = arith.constant 0 : i32
        %dma_start3A_136 = tpu.memref_slice %arg3[%add3A_45, %dma_start3A_135] : memref<2560x128xi32, #tpu.memory_space<hbm>> -> memref<40x128xi32, #tpu.memory_space<hbm>>
        tpu.enqueue_dma source(%dma_start3A_136 : memref<40x128xi32, #tpu.memory_space<hbm>>) target(%arg6 : memref<40x128xi32, #tpu.memory_space<vmem>>) target_semaphore(%run_scoped3A : memref<!tpu.dma_semaphore, #tpu.memory_space<semaphore_mem>>)
        %dma_wait3A = arith.constant 0 : i32
        %dma_wait3A_137 = tpu.memref_slice %arg3[%add3A_45, %dma_wait3A] : memref<2560x128xi32, #tpu.memory_space<hbm>> -> memref<40x128xi32, #tpu.memory_space<hbm>>
        %dma_wait3A_138 = arith.constant 0 : i32
        %dma_wait3A_139 = tpu.memref_slice %arg3[%add3A_45, %dma_wait3A_138] : memref<2560x128xi32, #tpu.memory_space<hbm>> -> memref<40x128xi32, #tpu.memory_space<hbm>>
        tpu.wait_dma2 semaphore(%run_scoped3A : memref<!tpu.dma_semaphore, #tpu.memory_space<semaphore_mem>>) src(%dma_wait3A_139 : memref<40x128xi32, #tpu.memory_space<hbm>>) dst(%arg6 : memref<40x128xi32, #tpu.memory_space<vmem>>)
        tpu.yield
      }) : () -> ()
      %mul3A_46 = arith.constant 40 : i32
      %mul3A_47 = arith.muli %add3A_42, %mul3A_46 : i32
      %add3A_48 = arith.addi %select_n3A, %mul3A_47 : i32
      "tpu.region"() ({
        %run_scoped3A = tpu.sem_alloc : memref<!tpu.dma_semaphore, #tpu.memory_space<semaphore_mem>>
        %dma_start3A_133 = arith.constant 0 : i32
        %dma_start3A_134 = tpu.memref_slice %arg4[%add3A_48, %dma_start3A_133] : memref<2560x128xi32, #tpu.memory_space<hbm>> -> memref<40x128xi32, #tpu.memory_space<hbm>>
        %dma_start3A_135 = arith.constant 0 : i32
        %dma_start3A_136 = tpu.memref_slice %arg4[%add3A_48, %dma_start3A_135] : memref<2560x128xi32, #tpu.memory_space<hbm>> -> memref<40x128xi32, #tpu.memory_space<hbm>>
        tpu.enqueue_dma source(%dma_start3A_136 : memref<40x128xi32, #tpu.memory_space<hbm>>) target(%arg7 : memref<40x128xi32, #tpu.memory_space<vmem>>) target_semaphore(%run_scoped3A : memref<!tpu.dma_semaphore, #tpu.memory_space<semaphore_mem>>)
        %dma_wait3A = arith.constant 0 : i32
        %dma_wait3A_137 = tpu.memref_slice %arg4[%add3A_48, %dma_wait3A] : memref<2560x128xi32, #tpu.memory_space<hbm>> -> memref<40x128xi32, #tpu.memory_space<hbm>>
        %dma_wait3A_138 = arith.constant 0 : i32
        %dma_wait3A_139 = tpu.memref_slice %arg4[%add3A_48, %dma_wait3A_138] : memref<2560x128xi32, #tpu.memory_space<hbm>> -> memref<40x128xi32, #tpu.memory_space<hbm>>
        tpu.wait_dma2 semaphore(%run_scoped3A : memref<!tpu.dma_semaphore, #tpu.memory_space<semaphore_mem>>) src(%dma_wait3A_139 : memref<40x128xi32, #tpu.memory_space<hbm>>) dst(%arg7 : memref<40x128xi32, #tpu.memory_space<vmem>>)
        tpu.yield
      }) : () -> ()
      %dma_start3A = arith.constant 0 : i32
      %dma_start3A_49 = arith.constant 0 : i32
      %dma_start3A_50 = arith.constant 0 : i32
      %dma_start3A_51 = tpu.memref_slice %arg8[%dma_start3A_49, %dma_start3A_50] : memref<128x128xf32, #tpu.memory_space<vmem>> -> memref<32x128xf32, #tpu.memory_space<vmem>>
      %dma_start3A_52 = arith.constant 0 : i32
      %dma_start3A_53 = tpu.memref_slice %arg6[%dma_start3A, %dma_start3A_52] : memref<40x128xi32, #tpu.memory_space<vmem>> -> memref<1x32xi32, #tpu.memory_space<vmem>>
      %dma_start3A_54 = tpu.memref_squeeze %dma_start3A_53 : memref<1x32xi32, #tpu.memory_space<vmem>> -> memref<32xi32, #tpu.memory_space<vmem>>
      %dma_start3A_55 = arith.constant 0 : i32
      %dma_start3A_56 = arith.constant 0 : i32
      %dma_start3A_57 = tpu.memref_slice %arg2[%dma_start3A_55, %dma_start3A_56] : memref<10000x128xf32, #tpu.memory_space<hbm>> -> memref<10000x128xf32, #tpu.memory_space<hbm>>
      tpu.enqueue_indirect_dma source(%dma_start3A_57 : memref<10000x128xf32, #tpu.memory_space<hbm>>) target(%dma_start3A_51 : memref<32x128xf32, #tpu.memory_space<vmem>>) offsets(%dma_start3A_54 : memref<32xi32, #tpu.memory_space<vmem>>) semaphore(%arg11 : memref<!tpu.dma_semaphore, #tpu.memory_space<semaphore_mem>>)
      %dma_start3A_58 = arith.constant 0 : i32
      %dma_start3A_59 = arith.constant 32 : i32
      %dma_start3A_60 = arith.constant 0 : i32
      %dma_start3A_61 = tpu.memref_slice %arg8[%dma_start3A_59, %dma_start3A_60] : memref<128x128xf32, #tpu.memory_space<vmem>> -> memref<32x128xf32, #tpu.memory_space<vmem>>
      %dma_start3A_62 = arith.constant 32 : i32
      %dma_start3A_63 = tpu.memref_slice %arg6[%dma_start3A_58, %dma_start3A_62] : memref<40x128xi32, #tpu.memory_space<vmem>> -> memref<1x32xi32, #tpu.memory_space<vmem>>
      %dma_start3A_64 = tpu.memref_squeeze %dma_start3A_63 : memref<1x32xi32, #tpu.memory_space<vmem>> -> memref<32xi32, #tpu.memory_space<vmem>>
      %dma_start3A_65 = arith.constant 0 : i32
      %dma_start3A_66 = arith.constant 0 : i32
      %dma_start3A_67 = tpu.memref_slice %arg2[%dma_start3A_65, %dma_start3A_66] : memref<10000x128xf32, #tpu.memory_space<hbm>> -> memref<10000x128xf32, #tpu.memory_space<hbm>>
      tpu.enqueue_indirect_dma source(%dma_start3A_67 : memref<10000x128xf32, #tpu.memory_space<hbm>>) target(%dma_start3A_61 : memref<32x128xf32, #tpu.memory_space<vmem>>) offsets(%dma_start3A_64 : memref<32xi32, #tpu.memory_space<vmem>>) semaphore(%arg11 : memref<!tpu.dma_semaphore, #tpu.memory_space<semaphore_mem>>)
      %dma_start3A_68 = arith.constant 0 : i32
      %dma_start3A_69 = arith.constant 64 : i32
      %dma_start3A_70 = arith.constant 0 : i32
      %dma_start3A_71 = tpu.memref_slice %arg8[%dma_start3A_69, %dma_start3A_70] : memref<128x128xf32, #tpu.memory_space<vmem>> -> memref<32x128xf32, #tpu.memory_space<vmem>>
      %dma_start3A_72 = arith.constant 64 : i32
      %dma_start3A_73 = tpu.memref_slice %arg6[%dma_start3A_68, %dma_start3A_72] : memref<40x128xi32, #tpu.memory_space<vmem>> -> memref<1x32xi32, #tpu.memory_space<vmem>>
      %dma_start3A_74 = tpu.memref_squeeze %dma_start3A_73 : memref<1x32xi32, #tpu.memory_space<vmem>> -> memref<32xi32, #tpu.memory_space<vmem>>
      %dma_start3A_75 = arith.constant 0 : i32
      %dma_start3A_76 = arith.constant 0 : i32
      %dma_start3A_77 = tpu.memref_slice %arg2[%dma_start3A_75, %dma_start3A_76] : memref<10000x128xf32, #tpu.memory_space<hbm>> -> memref<10000x128xf32, #tpu.memory_space<hbm>>
      tpu.enqueue_indirect_dma source(%dma_start3A_77 : memref<10000x128xf32, #tpu.memory_space<hbm>>) target(%dma_start3A_71 : memref<32x128xf32, #tpu.memory_space<vmem>>) offsets(%dma_start3A_74 : memref<32xi32, #tpu.memory_space<vmem>>) semaphore(%arg11 : memref<!tpu.dma_semaphore, #tpu.memory_space<semaphore_mem>>)
      %dma_start3A_78 = arith.constant 0 : i32
      %dma_start3A_79 = arith.constant 96 : i32
      %dma_start3A_80 = arith.constant 0 : i32
      %dma_start3A_81 = tpu.memref_slice %arg8[%dma_start3A_79, %dma_start3A_80] : memref<128x128xf32, #tpu.memory_space<vmem>> -> memref<32x128xf32, #tpu.memory_space<vmem>>
      %dma_start3A_82 = arith.constant 96 : i32
      %dma_start3A_83 = tpu.memref_slice %arg6[%dma_start3A_78, %dma_start3A_82] : memref<40x128xi32, #tpu.memory_space<vmem>> -> memref<1x32xi32, #tpu.memory_space<vmem>>
      %dma_start3A_84 = tpu.memref_squeeze %dma_start3A_83 : memref<1x32xi32, #tpu.memory_space<vmem>> -> memref<32xi32, #tpu.memory_space<vmem>>
      %dma_start3A_85 = arith.constant 0 : i32
      %dma_start3A_86 = arith.constant 0 : i32
      %dma_start3A_87 = tpu.memref_slice %arg2[%dma_start3A_85, %dma_start3A_86] : memref<10000x128xf32, #tpu.memory_space<hbm>> -> memref<10000x128xf32, #tpu.memory_space<hbm>>
      tpu.enqueue_indirect_dma source(%dma_start3A_87 : memref<10000x128xf32, #tpu.memory_space<hbm>>) target(%dma_start3A_81 : memref<32x128xf32, #tpu.memory_space<vmem>>) offsets(%dma_start3A_84 : memref<32xi32, #tpu.memory_space<vmem>>) semaphore(%arg11 : memref<!tpu.dma_semaphore, #tpu.memory_space<semaphore_mem>>)
      %dma_start3A_88 = arith.constant 1 : i32
      %dma_start3A_89 = arith.constant 0 : i32
      %dma_start3A_90 = arith.constant 0 : i32
      %dma_start3A_91 = tpu.memref_slice %arg9[%dma_start3A_89, %dma_start3A_90] : memref<128x128xf32, #tpu.memory_space<vmem>> -> memref<32x128xf32, #tpu.memory_space<vmem>>
      %dma_start3A_92 = arith.constant 0 : i32
      %dma_start3A_93 = tpu.memref_slice %arg6[%dma_start3A_88, %dma_start3A_92] : memref<40x128xi32, #tpu.memory_space<vmem>> -> memref<1x32xi32, #tpu.memory_space<vmem>>
      %dma_start3A_94 = tpu.memref_squeeze %dma_start3A_93 : memref<1x32xi32, #tpu.memory_space<vmem>> -> memref<32xi32, #tpu.memory_space<vmem>>
      %dma_start3A_95 = arith.constant 0 : i32
      %dma_start3A_96 = arith.constant 0 : i32
      %dma_start3A_97 = tpu.memref_slice %arg2[%dma_start3A_95, %dma_start3A_96] : memref<10000x128xf32, #tpu.memory_space<hbm>> -> memref<10000x128xf32, #tpu.memory_space<hbm>>
      tpu.enqueue_indirect_dma source(%dma_start3A_97 : memref<10000x128xf32, #tpu.memory_space<hbm>>) target(%dma_start3A_91 : memref<32x128xf32, #tpu.memory_space<vmem>>) offsets(%dma_start3A_94 : memref<32xi32, #tpu.memory_space<vmem>>) semaphore(%arg12 : memref<!tpu.dma_semaphore, #tpu.memory_space<semaphore_mem>>)
      %dma_start3A_98 = arith.constant 1 : i32
      %dma_start3A_99 = arith.constant 32 : i32
      %dma_start3A_100 = arith.constant 0 : i32
      %dma_start3A_101 = tpu.memref_slice %arg9[%dma_start3A_99, %dma_start3A_100] : memref<128x128xf32, #tpu.memory_space<vmem>> -> memref<32x128xf32, #tpu.memory_space<vmem>>
      %dma_start3A_102 = arith.constant 32 : i32
      %dma_start3A_103 = tpu.memref_slice %arg6[%dma_start3A_98, %dma_start3A_102] : memref<40x128xi32, #tpu.memory_space<vmem>> -> memref<1x32xi32, #tpu.memory_space<vmem>>
      %dma_start3A_104 = tpu.memref_squeeze %dma_start3A_103 : memref<1x32xi32, #tpu.memory_space<vmem>> -> memref<32xi32, #tpu.memory_space<vmem>>
      %dma_start3A_105 = arith.constant 0 : i32
      %dma_start3A_106 = arith.constant 0 : i32
      %dma_start3A_107 = tpu.memref_slice %arg2[%dma_start3A_105, %dma_start3A_106] : memref<10000x128xf32, #tpu.memory_space<hbm>> -> memref<10000x128xf32, #tpu.memory_space<hbm>>
      tpu.enqueue_indirect_dma source(%dma_start3A_107 : memref<10000x128xf32, #tpu.memory_space<hbm>>) target(%dma_start3A_101 : memref<32x128xf32, #tpu.memory_space<vmem>>) offsets(%dma_start3A_104 : memref<32xi32, #tpu.memory_space<vmem>>) semaphore(%arg12 : memref<!tpu.dma_semaphore, #tpu.memory_space<semaphore_mem>>)
      %dma_start3A_108 = arith.constant 1 : i32
      %dma_start3A_109 = arith.constant 64 : i32
      %dma_start3A_110 = arith.constant 0 : i32
      %dma_start3A_111 = tpu.memref_slice %arg9[%dma_start3A_109, %dma_start3A_110] : memref<128x128xf32, #tpu.memory_space<vmem>> -> memref<32x128xf32, #tpu.memory_space<vmem>>
      %dma_start3A_112 = arith.constant 64 : i32
      %dma_start3A_113 = tpu.memref_slice %arg6[%dma_start3A_108, %dma_start3A_112] : memref<40x128xi32, #tpu.memory_space<vmem>> -> memref<1x32xi32, #tpu.memory_space<vmem>>
      %dma_start3A_114 = tpu.memref_squeeze %dma_start3A_113 : memref<1x32xi32, #tpu.memory_space<vmem>> -> memref<32xi32, #tpu.memory_space<vmem>>
      %dma_start3A_115 = arith.constant 0 : i32
      %dma_start3A_116 = arith.constant 0 : i32
      %dma_start3A_117 = tpu.memref_slice %arg2[%dma_start3A_115, %dma_start3A_116] : memref<10000x128xf32, #tpu.memory_space<hbm>> -> memref<10000x128xf32, #tpu.memory_space<hbm>>
      tpu.enqueue_indirect_dma source(%dma_start3A_117 : memref<10000x128xf32, #tpu.memory_space<hbm>>) target(%dma_start3A_111 : memref<32x128xf32, #tpu.memory_space<vmem>>) offsets(%dma_start3A_114 : memref<32xi32, #tpu.memory_space<vmem>>) semaphore(%arg12 : memref<!tpu.dma_semaphore, #tpu.memory_space<semaphore_mem>>)
      %dma_start3A_118 = arith.constant 1 : i32
      %dma_start3A_119 = arith.constant 96 : i32
      %dma_start3A_120 = arith.constant 0 : i32
      %dma_start3A_121 = tpu.memref_slice %arg9[%dma_start3A_119, %dma_start3A_120] : memref<128x128xf32, #tpu.memory_space<vmem>> -> memref<32x128xf32, #tpu.memory_space<vmem>>
      %dma_start3A_122 = arith.constant 96 : i32
      %dma_start3A_123 = tpu.memref_slice %arg6[%dma_start3A_118, %dma_start3A_122] : memref<40x128xi32, #tpu.memory_space<vmem>> -> memref<1x32xi32, #tpu.memory_space<vmem>>
      %dma_start3A_124 = tpu.memref_squeeze %dma_start3A_123 : memref<1x32xi32, #tpu.memory_space<vmem>> -> memref<32xi32, #tpu.memory_space<vmem>>
      %dma_start3A_125 = arith.constant 0 : i32
      %dma_start3A_126 = arith.constant 0 : i32
      %dma_start3A_127 = tpu.memref_slice %arg2[%dma_start3A_125, %dma_start3A_126] : memref<10000x128xf32, #tpu.memory_space<hbm>> -> memref<10000x128xf32, #tpu.memory_space<hbm>>
      tpu.enqueue_indirect_dma source(%dma_start3A_127 : memref<10000x128xf32, #tpu.memory_space<hbm>>) target(%dma_start3A_121 : memref<32x128xf32, #tpu.memory_space<vmem>>) offsets(%dma_start3A_124 : memref<32xi32, #tpu.memory_space<vmem>>) semaphore(%arg12 : memref<!tpu.dma_semaphore, #tpu.memory_space<semaphore_mem>>)
      %scan3A_128 = arith.constant 0 : i32
      %scan3A_129 = arith.constant 20 : i32
      %scan3A_130 = arith.addi %scan3A_128, %scan3A_129 : i32
      %scan3A_131 = arith.constant 1 : i32
      scf.for %scan3A_133 = %scan3A_128 to %scan3A_130 step %scan3A_131  : i32 {
        %mul3A_134 = arith.constant 1 : i32
        %mul3A_135 = arith.muli %scan3A_133, %mul3A_134 : i32
        %add3A_136 = arith.constant 0 : i32
        %add3A_137 = arith.addi %add3A_136, %mul3A_135 : i32
        %mul3A_138 = arith.constant 2 : i32
        %mul3A_139 = arith.muli %mul3A_138, %add3A_137 : i32
        %dma_wait3A = arith.constant 0 : i32
        %dma_wait3A_140 = arith.constant 0 : i32
        %dma_wait3A_141 = tpu.memref_slice %arg6[%dma_wait3A, %dma_wait3A_140] : memref<40x128xi32, #tpu.memory_space<vmem>> -> memref<1x128xi32, #tpu.memory_space<vmem>>
        %dma_wait3A_142 = tpu.memref_squeeze %dma_wait3A_141 : memref<1x128xi32, #tpu.memory_space<vmem>> -> memref<128xi32, #tpu.memory_space<vmem>>
        %dma_wait3A_143 = arith.constant 0 : i32
        %dma_wait3A_144 = arith.constant 0 : i32
        %dma_wait3A_145 = tpu.memref_slice %arg2[%dma_wait3A_143, %dma_wait3A_144] : memref<10000x128xf32, #tpu.memory_space<hbm>> -> memref<10000x128xf32, #tpu.memory_space<hbm>>
        tpu.wait_indirect_dma semaphore(%arg11 : memref<!tpu.dma_semaphore, #tpu.memory_space<semaphore_mem>>) src(%dma_wait3A_145 : memref<10000x128xf32, #tpu.memory_space<hbm>>) dst(%arg8 : memref<128x128xf32, #tpu.memory_space<vmem>>)
        "tpu.region"() ({
          %run_scoped3A = tpu.sem_alloc : memref<!tpu.dma_semaphore, #tpu.memory_space<semaphore_mem>>
          %dma_start3A_168 = arith.constant 0 : i32
          %dma_start3A_169 = tpu.memref_slice %arg7[%mul3A_139, %dma_start3A_168] : memref<40x128xi32, #tpu.memory_space<vmem>> -> memref<1x128xi32, #tpu.memory_space<vmem>>
          %dma_start3A_170 = tpu.memref_squeeze %dma_start3A_169 : memref<1x128xi32, #tpu.memory_space<vmem>> -> memref<128xi32, #tpu.memory_space<vmem>>
          %dma_start3A_171 = arith.constant 0 : i32
          %dma_start3A_172 = arith.constant 0 : i32
          %dma_start3A_173 = tpu.memref_slice %arg10[%dma_start3A_171, %dma_start3A_172] : memref<10240x128xf32, #tpu.memory_space<vmem_shared>> -> memref<10240x128xf32, #tpu.memory_space<vmem_shared>>
          tpu.enqueue_indirect_dma source(%arg8 : memref<128x128xf32, #tpu.memory_space<vmem>>) target(%dma_start3A_173 : memref<10240x128xf32, #tpu.memory_space<vmem_shared>>) offsets(%dma_start3A_170 : memref<128xi32, #tpu.memory_space<vmem>>) semaphore(%run_scoped3A : memref<!tpu.dma_semaphore, #tpu.memory_space<semaphore_mem>>) {add = true}
          %dma_wait3A_174 = arith.constant 0 : i32
          %dma_wait3A_175 = tpu.memref_slice %arg7[%mul3A_139, %dma_wait3A_174] : memref<40x128xi32, #tpu.memory_space<vmem>> -> memref<1x128xi32, #tpu.memory_space<vmem>>
          %dma_wait3A_176 = tpu.memref_squeeze %dma_wait3A_175 : memref<1x128xi32, #tpu.memory_space<vmem>> -> memref<128xi32, #tpu.memory_space<vmem>>
          %dma_wait3A_177 = arith.constant 0 : i32
          %dma_wait3A_178 = arith.constant 0 : i32
          %dma_wait3A_179 = tpu.memref_slice %arg10[%dma_wait3A_177, %dma_wait3A_178] : memref<10240x128xf32, #tpu.memory_space<vmem_shared>> -> memref<10240x128xf32, #tpu.memory_space<vmem_shared>>
          tpu.wait_indirect_dma semaphore(%run_scoped3A : memref<!tpu.dma_semaphore, #tpu.memory_space<semaphore_mem>>) src(%arg8 : memref<128x128xf32, #tpu.memory_space<vmem>>) dst(%dma_wait3A_179 : memref<10240x128xf32, #tpu.memory_space<vmem_shared>>)
          tpu.yield
        }) : () -> ()
        %add3A_146 = arith.constant 2 : i32
        %add3A_147 = arith.addi %mul3A_139, %add3A_146 : i32
        %lt3A = arith.constant 40 : i32
        %lt3A_148 = arith.cmpi slt, %add3A_147, %lt3A : i32
        %convert_element_type3A = arith.extui %lt3A_148 : i1 to i32
        %cond3A = arith.constant 0 : i32
        %cond3A_149 = arith.cmpi ne, %convert_element_type3A, %cond3A : i32
        scf.if %cond3A_149 {
          %add3A_168 = arith.constant 2 : i32
          %add3A_169 = arith.addi %mul3A_139, %add3A_168 : i32
          %dma_start3A_170 = arith.constant 0 : i32
          %dma_start3A_171 = arith.constant 0 : i32
          %dma_start3A_172 = tpu.memref_slice %arg8[%dma_start3A_170, %dma_start3A_171] : memref<128x128xf32, #tpu.memory_space<vmem>> -> memref<32x128xf32, #tpu.memory_space<vmem>>
          %dma_start3A_173 = arith.constant 0 : i32
          %dma_start3A_174 = tpu.memref_slice %arg6[%add3A_169, %dma_start3A_173] : memref<40x128xi32, #tpu.memory_space<vmem>> -> memref<1x32xi32, #tpu.memory_space<vmem>>
          %dma_start3A_175 = tpu.memref_squeeze %dma_start3A_174 : memref<1x32xi32, #tpu.memory_space<vmem>> -> memref<32xi32, #tpu.memory_space<vmem>>
          %dma_start3A_176 = arith.constant 0 : i32
          %dma_start3A_177 = arith.constant 0 : i32
          %dma_start3A_178 = tpu.memref_slice %arg2[%dma_start3A_176, %dma_start3A_177] : memref<10000x128xf32, #tpu.memory_space<hbm>> -> memref<10000x128xf32, #tpu.memory_space<hbm>>
          tpu.enqueue_indirect_dma source(%dma_start3A_178 : memref<10000x128xf32, #tpu.memory_space<hbm>>) target(%dma_start3A_172 : memref<32x128xf32, #tpu.memory_space<vmem>>) offsets(%dma_start3A_175 : memref<32xi32, #tpu.memory_space<vmem>>) semaphore(%arg11 : memref<!tpu.dma_semaphore, #tpu.memory_space<semaphore_mem>>)
          %dma_start3A_179 = arith.constant 32 : i32
          %dma_start3A_180 = arith.constant 0 : i32
          %dma_start3A_181 = tpu.memref_slice %arg8[%dma_start3A_179, %dma_start3A_180] : memref<128x128xf32, #tpu.memory_space<vmem>> -> memref<32x128xf32, #tpu.memory_space<vmem>>
          %dma_start3A_182 = arith.constant 32 : i32
          %dma_start3A_183 = tpu.memref_slice %arg6[%add3A_169, %dma_start3A_182] : memref<40x128xi32, #tpu.memory_space<vmem>> -> memref<1x32xi32, #tpu.memory_space<vmem>>
          %dma_start3A_184 = tpu.memref_squeeze %dma_start3A_183 : memref<1x32xi32, #tpu.memory_space<vmem>> -> memref<32xi32, #tpu.memory_space<vmem>>
          %dma_start3A_185 = arith.constant 0 : i32
          %dma_start3A_186 = arith.constant 0 : i32
          %dma_start3A_187 = tpu.memref_slice %arg2[%dma_start3A_185, %dma_start3A_186] : memref<10000x128xf32, #tpu.memory_space<hbm>> -> memref<10000x128xf32, #tpu.memory_space<hbm>>
          tpu.enqueue_indirect_dma source(%dma_start3A_187 : memref<10000x128xf32, #tpu.memory_space<hbm>>) target(%dma_start3A_181 : memref<32x128xf32, #tpu.memory_space<vmem>>) offsets(%dma_start3A_184 : memref<32xi32, #tpu.memory_space<vmem>>) semaphore(%arg11 : memref<!tpu.dma_semaphore, #tpu.memory_space<semaphore_mem>>)
          %dma_start3A_188 = arith.constant 64 : i32
          %dma_start3A_189 = arith.constant 0 : i32
          %dma_start3A_190 = tpu.memref_slice %arg8[%dma_start3A_188, %dma_start3A_189] : memref<128x128xf32, #tpu.memory_space<vmem>> -> memref<32x128xf32, #tpu.memory_space<vmem>>
          %dma_start3A_191 = arith.constant 64 : i32
          %dma_start3A_192 = tpu.memref_slice %arg6[%add3A_169, %dma_start3A_191] : memref<40x128xi32, #tpu.memory_space<vmem>> -> memref<1x32xi32, #tpu.memory_space<vmem>>
          %dma_start3A_193 = tpu.memref_squeeze %dma_start3A_192 : memref<1x32xi32, #tpu.memory_space<vmem>> -> memref<32xi32, #tpu.memory_space<vmem>>
          %dma_start3A_194 = arith.constant 0 : i32
          %dma_start3A_195 = arith.constant 0 : i32
          %dma_start3A_196 = tpu.memref_slice %arg2[%dma_start3A_194, %dma_start3A_195] : memref<10000x128xf32, #tpu.memory_space<hbm>> -> memref<10000x128xf32, #tpu.memory_space<hbm>>
          tpu.enqueue_indirect_dma source(%dma_start3A_196 : memref<10000x128xf32, #tpu.memory_space<hbm>>) target(%dma_start3A_190 : memref<32x128xf32, #tpu.memory_space<vmem>>) offsets(%dma_start3A_193 : memref<32xi32, #tpu.memory_space<vmem>>) semaphore(%arg11 : memref<!tpu.dma_semaphore, #tpu.memory_space<semaphore_mem>>)
          %dma_start3A_197 = arith.constant 96 : i32
          %dma_start3A_198 = arith.constant 0 : i32
          %dma_start3A_199 = tpu.memref_slice %arg8[%dma_start3A_197, %dma_start3A_198] : memref<128x128xf32, #tpu.memory_space<vmem>> -> memref<32x128xf32, #tpu.memory_space<vmem>>
          %dma_start3A_200 = arith.constant 96 : i32
          %dma_start3A_201 = tpu.memref_slice %arg6[%add3A_169, %dma_start3A_200] : memref<40x128xi32, #tpu.memory_space<vmem>> -> memref<1x32xi32, #tpu.memory_space<vmem>>
          %dma_start3A_202 = tpu.memref_squeeze %dma_start3A_201 : memref<1x32xi32, #tpu.memory_space<vmem>> -> memref<32xi32, #tpu.memory_space<vmem>>
          %dma_start3A_203 = arith.constant 0 : i32
          %dma_start3A_204 = arith.constant 0 : i32
          %dma_start3A_205 = tpu.memref_slice %arg2[%dma_start3A_203, %dma_start3A_204] : memref<10000x128xf32, #tpu.memory_space<hbm>> -> memref<10000x128xf32, #tpu.memory_space<hbm>>
          tpu.enqueue_indirect_dma source(%dma_start3A_205 : memref<10000x128xf32, #tpu.memory_space<hbm>>) target(%dma_start3A_199 : memref<32x128xf32, #tpu.memory_space<vmem>>) offsets(%dma_start3A_202 : memref<32xi32, #tpu.memory_space<vmem>>) semaphore(%arg11 : memref<!tpu.dma_semaphore, #tpu.memory_space<semaphore_mem>>)
        } else {
        }
        %mul3A_150 = arith.constant 2 : i32
        %mul3A_151 = arith.muli %mul3A_150, %add3A_137 : i32
        %add3A_152 = arith.constant 1 : i32
        %add3A_153 = arith.addi %mul3A_151, %add3A_152 : i32
        %dma_wait3A_154 = arith.constant 0 : i32
        %dma_wait3A_155 = arith.constant 0 : i32
        %dma_wait3A_156 = tpu.memref_slice %arg6[%dma_wait3A_154, %dma_wait3A_155] : memref<40x128xi32, #tpu.memory_space<vmem>> -> memref<1x128xi32, #tpu.memory_space<vmem>>
        %dma_wait3A_157 = tpu.memref_squeeze %dma_wait3A_156 : memref<1x128xi32, #tpu.memory_space<vmem>> -> memref<128xi32, #tpu.memory_space<vmem>>
        %dma_wait3A_158 = arith.constant 0 : i32
        %dma_wait3A_159 = arith.constant 0 : i32
        %dma_wait3A_160 = tpu.memref_slice %arg2[%dma_wait3A_158, %dma_wait3A_159] : memref<10000x128xf32, #tpu.memory_space<hbm>> -> memref<10000x128xf32, #tpu.memory_space<hbm>>
        tpu.wait_indirect_dma semaphore(%arg12 : memref<!tpu.dma_semaphore, #tpu.memory_space<semaphore_mem>>) src(%dma_wait3A_160 : memref<10000x128xf32, #tpu.memory_space<hbm>>) dst(%arg9 : memref<128x128xf32, #tpu.memory_space<vmem>>)
        "tpu.region"() ({
          %run_scoped3A = tpu.sem_alloc : memref<!tpu.dma_semaphore, #tpu.memory_space<semaphore_mem>>
          %dma_start3A_168 = arith.constant 0 : i32
          %dma_start3A_169 = tpu.memref_slice %arg7[%add3A_153, %dma_start3A_168] : memref<40x128xi32, #tpu.memory_space<vmem>> -> memref<1x128xi32, #tpu.memory_space<vmem>>
          %dma_start3A_170 = tpu.memref_squeeze %dma_start3A_169 : memref<1x128xi32, #tpu.memory_space<vmem>> -> memref<128xi32, #tpu.memory_space<vmem>>
          %dma_start3A_171 = arith.constant 0 : i32
          %dma_start3A_172 = arith.constant 0 : i32
          %dma_start3A_173 = tpu.memref_slice %arg10[%dma_start3A_171, %dma_start3A_172] : memref<10240x128xf32, #tpu.memory_space<vmem_shared>> -> memref<10240x128xf32, #tpu.memory_space<vmem_shared>>
          tpu.enqueue_indirect_dma source(%arg9 : memref<128x128xf32, #tpu.memory_space<vmem>>) target(%dma_start3A_173 : memref<10240x128xf32, #tpu.memory_space<vmem_shared>>) offsets(%dma_start3A_170 : memref<128xi32, #tpu.memory_space<vmem>>) semaphore(%run_scoped3A : memref<!tpu.dma_semaphore, #tpu.memory_space<semaphore_mem>>) {add = true}
          %dma_wait3A_174 = arith.constant 0 : i32
          %dma_wait3A_175 = tpu.memref_slice %arg7[%add3A_153, %dma_wait3A_174] : memref<40x128xi32, #tpu.memory_space<vmem>> -> memref<1x128xi32, #tpu.memory_space<vmem>>
          %dma_wait3A_176 = tpu.memref_squeeze %dma_wait3A_175 : memref<1x128xi32, #tpu.memory_space<vmem>> -> memref<128xi32, #tpu.memory_space<vmem>>
          %dma_wait3A_177 = arith.constant 0 : i32
          %dma_wait3A_178 = arith.constant 0 : i32
          %dma_wait3A_179 = tpu.memref_slice %arg10[%dma_wait3A_177, %dma_wait3A_178] : memref<10240x128xf32, #tpu.memory_space<vmem_shared>> -> memref<10240x128xf32, #tpu.memory_space<vmem_shared>>
          tpu.wait_indirect_dma semaphore(%run_scoped3A : memref<!tpu.dma_semaphore, #tpu.memory_space<semaphore_mem>>) src(%arg9 : memref<128x128xf32, #tpu.memory_space<vmem>>) dst(%dma_wait3A_179 : memref<10240x128xf32, #tpu.memory_space<vmem_shared>>)
          tpu.yield
        }) : () -> ()
        %add3A_161 = arith.constant 2 : i32
        %add3A_162 = arith.addi %add3A_153, %add3A_161 : i32
        %lt3A_163 = arith.constant 40 : i32
        %lt3A_164 = arith.cmpi slt, %add3A_162, %lt3A_163 : i32
        %convert_element_type3A_165 = arith.extui %lt3A_164 : i1 to i32
        %cond3A_166 = arith.constant 0 : i32
        %cond3A_167 = arith.cmpi ne, %convert_element_type3A_165, %cond3A_166 : i32
        scf.if %cond3A_167 {
          %add3A_168 = arith.constant 2 : i32
          %add3A_169 = arith.addi %add3A_153, %add3A_168 : i32
          %dma_start3A_170 = arith.constant 0 : i32
          %dma_start3A_171 = arith.constant 0 : i32
          %dma_start3A_172 = tpu.memref_slice %arg9[%dma_start3A_170, %dma_start3A_171] : memref<128x128xf32, #tpu.memory_space<vmem>> -> memref<32x128xf32, #tpu.memory_space<vmem>>
          %dma_start3A_173 = arith.constant 0 : i32
          %dma_start3A_174 = tpu.memref_slice %arg6[%add3A_169, %dma_start3A_173] : memref<40x128xi32, #tpu.memory_space<vmem>> -> memref<1x32xi32, #tpu.memory_space<vmem>>
          %dma_start3A_175 = tpu.memref_squeeze %dma_start3A_174 : memref<1x32xi32, #tpu.memory_space<vmem>> -> memref<32xi32, #tpu.memory_space<vmem>>
          %dma_start3A_176 = arith.constant 0 : i32
          %dma_start3A_177 = arith.constant 0 : i32
          %dma_start3A_178 = tpu.memref_slice %arg2[%dma_start3A_176, %dma_start3A_177] : memref<10000x128xf32, #tpu.memory_space<hbm>> -> memref<10000x128xf32, #tpu.memory_space<hbm>>
          tpu.enqueue_indirect_dma source(%dma_start3A_178 : memref<10000x128xf32, #tpu.memory_space<hbm>>) target(%dma_start3A_172 : memref<32x128xf32, #tpu.memory_space<vmem>>) offsets(%dma_start3A_175 : memref<32xi32, #tpu.memory_space<vmem>>) semaphore(%arg12 : memref<!tpu.dma_semaphore, #tpu.memory_space<semaphore_mem>>)
          %dma_start3A_179 = arith.constant 32 : i32
          %dma_start3A_180 = arith.constant 0 : i32
          %dma_start3A_181 = tpu.memref_slice %arg9[%dma_start3A_179, %dma_start3A_180] : memref<128x128xf32, #tpu.memory_space<vmem>> -> memref<32x128xf32, #tpu.memory_space<vmem>>
          %dma_start3A_182 = arith.constant 32 : i32
          %dma_start3A_183 = tpu.memref_slice %arg6[%add3A_169, %dma_start3A_182] : memref<40x128xi32, #tpu.memory_space<vmem>> -> memref<1x32xi32, #tpu.memory_space<vmem>>
          %dma_start3A_184 = tpu.memref_squeeze %dma_start3A_183 : memref<1x32xi32, #tpu.memory_space<vmem>> -> memref<32xi32, #tpu.memory_space<vmem>>
          %dma_start3A_185 = arith.constant 0 : i32
          %dma_start3A_186 = arith.constant 0 : i32
          %dma_start3A_187 = tpu.memref_slice %arg2[%dma_start3A_185, %dma_start3A_186] : memref<10000x128xf32, #tpu.memory_space<hbm>> -> memref<10000x128xf32, #tpu.memory_space<hbm>>
          tpu.enqueue_indirect_dma source(%dma_start3A_187 : memref<10000x128xf32, #tpu.memory_space<hbm>>) target(%dma_start3A_181 : memref<32x128xf32, #tpu.memory_space<vmem>>) offsets(%dma_start3A_184 : memref<32xi32, #tpu.memory_space<vmem>>) semaphore(%arg12 : memref<!tpu.dma_semaphore, #tpu.memory_space<semaphore_mem>>)
          %dma_start3A_188 = arith.constant 64 : i32
          %dma_start3A_189 = arith.constant 0 : i32
          %dma_start3A_190 = tpu.memref_slice %arg9[%dma_start3A_188, %dma_start3A_189] : memref<128x128xf32, #tpu.memory_space<vmem>> -> memref<32x128xf32, #tpu.memory_space<vmem>>
          %dma_start3A_191 = arith.constant 64 : i32
          %dma_start3A_192 = tpu.memref_slice %arg6[%add3A_169, %dma_start3A_191] : memref<40x128xi32, #tpu.memory_space<vmem>> -> memref<1x32xi32, #tpu.memory_space<vmem>>
          %dma_start3A_193 = tpu.memref_squeeze %dma_start3A_192 : memref<1x32xi32, #tpu.memory_space<vmem>> -> memref<32xi32, #tpu.memory_space<vmem>>
          %dma_start3A_194 = arith.constant 0 : i32
          %dma_start3A_195 = arith.constant 0 : i32
          %dma_start3A_196 = tpu.memref_slice %arg2[%dma_start3A_194, %dma_start3A_195] : memref<10000x128xf32, #tpu.memory_space<hbm>> -> memref<10000x128xf32, #tpu.memory_space<hbm>>
          tpu.enqueue_indirect_dma source(%dma_start3A_196 : memref<10000x128xf32, #tpu.memory_space<hbm>>) target(%dma_start3A_190 : memref<32x128xf32, #tpu.memory_space<vmem>>) offsets(%dma_start3A_193 : memref<32xi32, #tpu.memory_space<vmem>>) semaphore(%arg12 : memref<!tpu.dma_semaphore, #tpu.memory_space<semaphore_mem>>)
          %dma_start3A_197 = arith.constant 96 : i32
          %dma_start3A_198 = arith.constant 0 : i32
          %dma_start3A_199 = tpu.memref_slice %arg9[%dma_start3A_197, %dma_start3A_198] : memref<128x128xf32, #tpu.memory_space<vmem>> -> memref<32x128xf32, #tpu.memory_space<vmem>>
          %dma_start3A_200 = arith.constant 96 : i32
          %dma_start3A_201 = tpu.memref_slice %arg6[%add3A_169, %dma_start3A_200] : memref<40x128xi32, #tpu.memory_space<vmem>> -> memref<1x32xi32, #tpu.memory_space<vmem>>
          %dma_start3A_202 = tpu.memref_squeeze %dma_start3A_201 : memref<1x32xi32, #tpu.memory_space<vmem>> -> memref<32xi32, #tpu.memory_space<vmem>>
          %dma_start3A_203 = arith.constant 0 : i32
          %dma_start3A_204 = arith.constant 0 : i32
          %dma_start3A_205 = tpu.memref_slice %arg2[%dma_start3A_203, %dma_start3A_204] : memref<10000x128xf32, #tpu.memory_space<hbm>> -> memref<10000x128xf32, #tpu.memory_space<hbm>>
          tpu.enqueue_indirect_dma source(%dma_start3A_205 : memref<10000x128xf32, #tpu.memory_space<hbm>>) target(%dma_start3A_199 : memref<32x128xf32, #tpu.memory_space<vmem>>) offsets(%dma_start3A_202 : memref<32xi32, #tpu.memory_space<vmem>>) semaphore(%arg12 : memref<!tpu.dma_semaphore, #tpu.memory_space<semaphore_mem>>)
        } else {
        }
      }
      %scan3A_132 = arith.constant 20 : i32
    }
    %while3A_34 = arith.constant 1 : i32
    scf.for %while3A_40 = %while3A_32 to %while3A_28 step %while3A_34  : i32 {
      %mul3A_41 = arith.muli %while3A_40, %while3A : i32
      %add3A_42 = arith.addi %while3A_25, %mul3A_41 : i32
      %mul3A_43 = arith.constant 40 : i32
      %mul3A_44 = arith.muli %add3A_42, %mul3A_43 : i32
      %add3A_45 = arith.addi %select_n3A, %mul3A_44 : i32
      "tpu.region"() ({
        %run_scoped3A = tpu.sem_alloc : memref<!tpu.dma_semaphore, #tpu.memory_space<semaphore_mem>>
        %dma_start3A_133 = arith.constant 0 : i32
        %dma_start3A_134 = tpu.memref_slice %arg3[%add3A_45, %dma_start3A_133] : memref<2560x128xi32, #tpu.memory_space<hbm>> -> memref<40x128xi32, #tpu.memory_space<hbm>>
        %dma_start3A_135 = arith.constant 0 : i32
        %dma_start3A_136 = tpu.memref_slice %arg3[%add3A_45, %dma_start3A_135] : memref<2560x128xi32, #tpu.memory_space<hbm>> -> memref<40x128xi32, #tpu.memory_space<hbm>>
        tpu.enqueue_dma source(%dma_start3A_136 : memref<40x128xi32, #tpu.memory_space<hbm>>) target(%arg6 : memref<40x128xi32, #tpu.memory_space<vmem>>) target_semaphore(%run_scoped3A : memref<!tpu.dma_semaphore, #tpu.memory_space<semaphore_mem>>)
        %dma_wait3A = arith.constant 0 : i32
        %dma_wait3A_137 = tpu.memref_slice %arg3[%add3A_45, %dma_wait3A] : memref<2560x128xi32, #tpu.memory_space<hbm>> -> memref<40x128xi32, #tpu.memory_space<hbm>>
        %dma_wait3A_138 = arith.constant 0 : i32
        %dma_wait3A_139 = tpu.memref_slice %arg3[%add3A_45, %dma_wait3A_138] : memref<2560x128xi32, #tpu.memory_space<hbm>> -> memref<40x128xi32, #tpu.memory_space<hbm>>
        tpu.wait_dma2 semaphore(%run_scoped3A : memref<!tpu.dma_semaphore, #tpu.memory_space<semaphore_mem>>) src(%dma_wait3A_139 : memref<40x128xi32, #tpu.memory_space<hbm>>) dst(%arg6 : memref<40x128xi32, #tpu.memory_space<vmem>>)
        tpu.yield
      }) : () -> ()
      %mul3A_46 = arith.constant 40 : i32
      %mul3A_47 = arith.muli %add3A_42, %mul3A_46 : i32
      %add3A_48 = arith.addi %select_n3A, %mul3A_47 : i32
      "tpu.region"() ({
        %run_scoped3A = tpu.sem_alloc : memref<!tpu.dma_semaphore, #tpu.memory_space<semaphore_mem>>
        %dma_start3A_133 = arith.constant 0 : i32
        %dma_start3A_134 = tpu.memref_slice %arg4[%add3A_48, %dma_start3A_133] : memref<2560x128xi32, #tpu.memory_space<hbm>> -> memref<40x128xi32, #tpu.memory_space<hbm>>
        %dma_start3A_135 = arith.constant 0 : i32
        %dma_start3A_136 = tpu.memref_slice %arg4[%add3A_48, %dma_start3A_135] : memref<2560x128xi32, #tpu.memory_space<hbm>> -> memref<40x128xi32, #tpu.memory_space<hbm>>
        tpu.enqueue_dma source(%dma_start3A_136 : memref<40x128xi32, #tpu.memory_space<hbm>>) target(%arg7 : memref<40x128xi32, #tpu.memory_space<vmem>>) target_semaphore(%run_scoped3A : memref<!tpu.dma_semaphore, #tpu.memory_space<semaphore_mem>>)
        %dma_wait3A = arith.constant 0 : i32
        %dma_wait3A_137 = tpu.memref_slice %arg4[%add3A_48, %dma_wait3A] : memref<2560x128xi32, #tpu.memory_space<hbm>> -> memref<40x128xi32, #tpu.memory_space<hbm>>
        %dma_wait3A_138 = arith.constant 0 : i32
        %dma_wait3A_139 = tpu.memref_slice %arg4[%add3A_48, %dma_wait3A_138] : memref<2560x128xi32, #tpu.memory_space<hbm>> -> memref<40x128xi32, #tpu.memory_space<hbm>>
        tpu.wait_dma2 semaphore(%run_scoped3A : memref<!tpu.dma_semaphore, #tpu.memory_space<semaphore_mem>>) src(%dma_wait3A_139 : memref<40x128xi32, #tpu.memory_space<hbm>>) dst(%arg7 : memref<40x128xi32, #tpu.memory_space<vmem>>)
        tpu.yield
      }) : () -> ()
      %dma_start3A = arith.constant 0 : i32
      %dma_start3A_49 = arith.constant 0 : i32
      %dma_start3A_50 = arith.constant 0 : i32
      %dma_start3A_51 = tpu.memref_slice %arg8[%dma_start3A_49, %dma_start3A_50] : memref<128x128xf32, #tpu.memory_space<vmem>> -> memref<32x128xf32, #tpu.memory_space<vmem>>
      %dma_start3A_52 = arith.constant 0 : i32
      %dma_start3A_53 = tpu.memref_slice %arg6[%dma_start3A, %dma_start3A_52] : memref<40x128xi32, #tpu.memory_space<vmem>> -> memref<1x32xi32, #tpu.memory_space<vmem>>
      %dma_start3A_54 = tpu.memref_squeeze %dma_start3A_53 : memref<1x32xi32, #tpu.memory_space<vmem>> -> memref<32xi32, #tpu.memory_space<vmem>>
      %dma_start3A_55 = arith.constant 0 : i32
      %dma_start3A_56 = arith.constant 0 : i32
      %dma_start3A_57 = tpu.memref_slice %arg2[%dma_start3A_55, %dma_start3A_56] : memref<10000x128xf32, #tpu.memory_space<hbm>> -> memref<10000x128xf32, #tpu.memory_space<hbm>>
      tpu.enqueue_indirect_dma source(%dma_start3A_57 : memref<10000x128xf32, #tpu.memory_space<hbm>>) target(%dma_start3A_51 : memref<32x128xf32, #tpu.memory_space<vmem>>) offsets(%dma_start3A_54 : memref<32xi32, #tpu.memory_space<vmem>>) semaphore(%arg11 : memref<!tpu.dma_semaphore, #tpu.memory_space<semaphore_mem>>)
      %dma_start3A_58 = arith.constant 0 : i32
      %dma_start3A_59 = arith.constant 32 : i32
      %dma_start3A_60 = arith.constant 0 : i32
      %dma_start3A_61 = tpu.memref_slice %arg8[%dma_start3A_59, %dma_start3A_60] : memref<128x128xf32, #tpu.memory_space<vmem>> -> memref<32x128xf32, #tpu.memory_space<vmem>>
      %dma_start3A_62 = arith.constant 32 : i32
      %dma_start3A_63 = tpu.memref_slice %arg6[%dma_start3A_58, %dma_start3A_62] : memref<40x128xi32, #tpu.memory_space<vmem>> -> memref<1x32xi32, #tpu.memory_space<vmem>>
      %dma_start3A_64 = tpu.memref_squeeze %dma_start3A_63 : memref<1x32xi32, #tpu.memory_space<vmem>> -> memref<32xi32, #tpu.memory_space<vmem>>
      %dma_start3A_65 = arith.constant 0 : i32
      %dma_start3A_66 = arith.constant 0 : i32
      %dma_start3A_67 = tpu.memref_slice %arg2[%dma_start3A_65, %dma_start3A_66] : memref<10000x128xf32, #tpu.memory_space<hbm>> -> memref<10000x128xf32, #tpu.memory_space<hbm>>
      tpu.enqueue_indirect_dma source(%dma_start3A_67 : memref<10000x128xf32, #tpu.memory_space<hbm>>) target(%dma_start3A_61 : memref<32x128xf32, #tpu.memory_space<vmem>>) offsets(%dma_start3A_64 : memref<32xi32, #tpu.memory_space<vmem>>) semaphore(%arg11 : memref<!tpu.dma_semaphore, #tpu.memory_space<semaphore_mem>>)
      %dma_start3A_68 = arith.constant 0 : i32
      %dma_start3A_69 = arith.constant 64 : i32
      %dma_start3A_70 = arith.constant 0 : i32
      %dma_start3A_71 = tpu.memref_slice %arg8[%dma_start3A_69, %dma_start3A_70] : memref<128x128xf32, #tpu.memory_space<vmem>> -> memref<32x128xf32, #tpu.memory_space<vmem>>
      %dma_start3A_72 = arith.constant 64 : i32
      %dma_start3A_73 = tpu.memref_slice %arg6[%dma_start3A_68, %dma_start3A_72] : memref<40x128xi32, #tpu.memory_space<vmem>> -> memref<1x32xi32, #tpu.memory_space<vmem>>
      %dma_start3A_74 = tpu.memref_squeeze %dma_start3A_73 : memref<1x32xi32, #tpu.memory_space<vmem>> -> memref<32xi32, #tpu.memory_space<vmem>>
      %dma_start3A_75 = arith.constant 0 : i32
      %dma_start3A_76 = arith.constant 0 : i32
      %dma_start3A_77 = tpu.memref_slice %arg2[%dma_start3A_75, %dma_start3A_76] : memref<10000x128xf32, #tpu.memory_space<hbm>> -> memref<10000x128xf32, #tpu.memory_space<hbm>>
      tpu.enqueue_indirect_dma source(%dma_start3A_77 : memref<10000x128xf32, #tpu.memory_space<hbm>>) target(%dma_start3A_71 : memref<32x128xf32, #tpu.memory_space<vmem>>) offsets(%dma_start3A_74 : memref<32xi32, #tpu.memory_space<vmem>>) semaphore(%arg11 : memref<!tpu.dma_semaphore, #tpu.memory_space<semaphore_mem>>)
      %dma_start3A_78 = arith.constant 0 : i32
      %dma_start3A_79 = arith.constant 96 : i32
      %dma_start3A_80 = arith.constant 0 : i32
      %dma_start3A_81 = tpu.memref_slice %arg8[%dma_start3A_79, %dma_start3A_80] : memref<128x128xf32, #tpu.memory_space<vmem>> -> memref<32x128xf32, #tpu.memory_space<vmem>>
      %dma_start3A_82 = arith.constant 96 : i32
      %dma_start3A_83 = tpu.memref_slice %arg6[%dma_start3A_78, %dma_start3A_82] : memref<40x128xi32, #tpu.memory_space<vmem>> -> memref<1x32xi32, #tpu.memory_space<vmem>>
      %dma_start3A_84 = tpu.memref_squeeze %dma_start3A_83 : memref<1x32xi32, #tpu.memory_space<vmem>> -> memref<32xi32, #tpu.memory_space<vmem>>
      %dma_start3A_85 = arith.constant 0 : i32
      %dma_start3A_86 = arith.constant 0 : i32
      %dma_start3A_87 = tpu.memref_slice %arg2[%dma_start3A_85, %dma_start3A_86] : memref<10000x128xf32, #tpu.memory_space<hbm>> -> memref<10000x128xf32, #tpu.memory_space<hbm>>
      tpu.enqueue_indirect_dma source(%dma_start3A_87 : memref<10000x128xf32, #tpu.memory_space<hbm>>) target(%dma_start3A_81 : memref<32x128xf32, #tpu.memory_space<vmem>>) offsets(%dma_start3A_84 : memref<32xi32, #tpu.memory_space<vmem>>) semaphore(%arg11 : memref<!tpu.dma_semaphore, #tpu.memory_space<semaphore_mem>>)
      %dma_start3A_88 = arith.constant 1 : i32
      %dma_start3A_89 = arith.constant 0 : i32
      %dma_start3A_90 = arith.constant 0 : i32
      %dma_start3A_91 = tpu.memref_slice %arg9[%dma_start3A_89, %dma_start3A_90] : memref<128x128xf32, #tpu.memory_space<vmem>> -> memref<32x128xf32, #tpu.memory_space<vmem>>
      %dma_start3A_92 = arith.constant 0 : i32
      %dma_start3A_93 = tpu.memref_slice %arg6[%dma_start3A_88, %dma_start3A_92] : memref<40x128xi32, #tpu.memory_space<vmem>> -> memref<1x32xi32, #tpu.memory_space<vmem>>
      %dma_start3A_94 = tpu.memref_squeeze %dma_start3A_93 : memref<1x32xi32, #tpu.memory_space<vmem>> -> memref<32xi32, #tpu.memory_space<vmem>>
      %dma_start3A_95 = arith.constant 0 : i32
      %dma_start3A_96 = arith.constant 0 : i32
      %dma_start3A_97 = tpu.memref_slice %arg2[%dma_start3A_95, %dma_start3A_96] : memref<10000x128xf32, #tpu.memory_space<hbm>> -> memref<10000x128xf32, #tpu.memory_space<hbm>>
      tpu.enqueue_indirect_dma source(%dma_start3A_97 : memref<10000x128xf32, #tpu.memory_space<hbm>>) target(%dma_start3A_91 : memref<32x128xf32, #tpu.memory_space<vmem>>) offsets(%dma_start3A_94 : memref<32xi32, #tpu.memory_space<vmem>>) semaphore(%arg12 : memref<!tpu.dma_semaphore, #tpu.memory_space<semaphore_mem>>)
      %dma_start3A_98 = arith.constant 1 : i32
      %dma_start3A_99 = arith.constant 32 : i32
      %dma_start3A_100 = arith.constant 0 : i32
      %dma_start3A_101 = tpu.memref_slice %arg9[%dma_start3A_99, %dma_start3A_100] : memref<128x128xf32, #tpu.memory_space<vmem>> -> memref<32x128xf32, #tpu.memory_space<vmem>>
      %dma_start3A_102 = arith.constant 32 : i32
      %dma_start3A_103 = tpu.memref_slice %arg6[%dma_start3A_98, %dma_start3A_102] : memref<40x128xi32, #tpu.memory_space<vmem>> -> memref<1x32xi32, #tpu.memory_space<vmem>>
      %dma_start3A_104 = tpu.memref_squeeze %dma_start3A_103 : memref<1x32xi32, #tpu.memory_space<vmem>> -> memref<32xi32, #tpu.memory_space<vmem>>
      %dma_start3A_105 = arith.constant 0 : i32
      %dma_start3A_106 = arith.constant 0 : i32
      %dma_start3A_107 = tpu.memref_slice %arg2[%dma_start3A_105, %dma_start3A_106] : memref<10000x128xf32, #tpu.memory_space<hbm>> -> memref<10000x128xf32, #tpu.memory_space<hbm>>
      tpu.enqueue_indirect_dma source(%dma_start3A_107 : memref<10000x128xf32, #tpu.memory_space<hbm>>) target(%dma_start3A_101 : memref<32x128xf32, #tpu.memory_space<vmem>>) offsets(%dma_start3A_104 : memref<32xi32, #tpu.memory_space<vmem>>) semaphore(%arg12 : memref<!tpu.dma_semaphore, #tpu.memory_space<semaphore_mem>>)
      %dma_start3A_108 = arith.constant 1 : i32
      %dma_start3A_109 = arith.constant 64 : i32
      %dma_start3A_110 = arith.constant 0 : i32
      %dma_start3A_111 = tpu.memref_slice %arg9[%dma_start3A_109, %dma_start3A_110] : memref<128x128xf32, #tpu.memory_space<vmem>> -> memref<32x128xf32, #tpu.memory_space<vmem>>
      %dma_start3A_112 = arith.constant 64 : i32
      %dma_start3A_113 = tpu.memref_slice %arg6[%dma_start3A_108, %dma_start3A_112] : memref<40x128xi32, #tpu.memory_space<vmem>> -> memref<1x32xi32, #tpu.memory_space<vmem>>
      %dma_start3A_114 = tpu.memref_squeeze %dma_start3A_113 : memref<1x32xi32, #tpu.memory_space<vmem>> -> memref<32xi32, #tpu.memory_space<vmem>>
      %dma_start3A_115 = arith.constant 0 : i32
      %dma_start3A_116 = arith.constant 0 : i32
      %dma_start3A_117 = tpu.memref_slice %arg2[%dma_start3A_115, %dma_start3A_116] : memref<10000x128xf32, #tpu.memory_space<hbm>> -> memref<10000x128xf32, #tpu.memory_space<hbm>>
      tpu.enqueue_indirect_dma source(%dma_start3A_117 : memref<10000x128xf32, #tpu.memory_space<hbm>>) target(%dma_start3A_111 : memref<32x128xf32, #tpu.memory_space<vmem>>) offsets(%dma_start3A_114 : memref<32xi32, #tpu.memory_space<vmem>>) semaphore(%arg12 : memref<!tpu.dma_semaphore, #tpu.memory_space<semaphore_mem>>)
      %dma_start3A_118 = arith.constant 1 : i32
      %dma_start3A_119 = arith.constant 96 : i32
      %dma_start3A_120 = arith.constant 0 : i32
      %dma_start3A_121 = tpu.memref_slice %arg9[%dma_start3A_119, %dma_start3A_120] : memref<128x128xf32, #tpu.memory_space<vmem>> -> memref<32x128xf32, #tpu.memory_space<vmem>>
      %dma_start3A_122 = arith.constant 96 : i32
      %dma_start3A_123 = tpu.memref_slice %arg6[%dma_start3A_118, %dma_start3A_122] : memref<40x128xi32, #tpu.memory_space<vmem>> -> memref<1x32xi32, #tpu.memory_space<vmem>>
      %dma_start3A_124 = tpu.memref_squeeze %dma_start3A_123 : memref<1x32xi32, #tpu.memory_space<vmem>> -> memref<32xi32, #tpu.memory_space<vmem>>
      %dma_start3A_125 = arith.constant 0 : i32
      %dma_start3A_126 = arith.constant 0 : i32
      %dma_start3A_127 = tpu.memref_slice %arg2[%dma_start3A_125, %dma_start3A_126] : memref<10000x128xf32, #tpu.memory_space<hbm>> -> memref<10000x128xf32, #tpu.memory_space<hbm>>
      tpu.enqueue_indirect_dma source(%dma_start3A_127 : memref<10000x128xf32, #tpu.memory_space<hbm>>) target(%dma_start3A_121 : memref<32x128xf32, #tpu.memory_space<vmem>>) offsets(%dma_start3A_124 : memref<32xi32, #tpu.memory_space<vmem>>) semaphore(%arg12 : memref<!tpu.dma_semaphore, #tpu.memory_space<semaphore_mem>>)
      %scan3A_128 = arith.constant 0 : i32
      %scan3A_129 = arith.constant 20 : i32
      %scan3A_130 = arith.addi %scan3A_128, %scan3A_129 : i32
      %scan3A_131 = arith.constant 1 : i32
      scf.for %scan3A_133 = %scan3A_128 to %scan3A_130 step %scan3A_131  : i32 {
        %mul3A_134 = arith.constant 1 : i32
        %mul3A_135 = arith.muli %scan3A_133, %mul3A_134 : i32
        %add3A_136 = arith.constant 0 : i32
        %add3A_137 = arith.addi %add3A_136, %mul3A_135 : i32
        %mul3A_138 = arith.constant 2 : i32
        %mul3A_139 = arith.muli %mul3A_138, %add3A_137 : i32
        %dma_wait3A = arith.constant 0 : i32
        %dma_wait3A_140 = arith.constant 0 : i32
        %dma_wait3A_141 = tpu.memref_slice %arg6[%dma_wait3A, %dma_wait3A_140] : memref<40x128xi32, #tpu.memory_space<vmem>> -> memref<1x128xi32, #tpu.memory_space<vmem>>
        %dma_wait3A_142 = tpu.memref_squeeze %dma_wait3A_141 : memref<1x128xi32, #tpu.memory_space<vmem>> -> memref<128xi32, #tpu.memory_space<vmem>>
        %dma_wait3A_143 = arith.constant 0 : i32
        %dma_wait3A_144 = arith.constant 0 : i32
        %dma_wait3A_145 = tpu.memref_slice %arg2[%dma_wait3A_143, %dma_wait3A_144] : memref<10000x128xf32, #tpu.memory_space<hbm>> -> memref<10000x128xf32, #tpu.memory_space<hbm>>
        tpu.wait_indirect_dma semaphore(%arg11 : memref<!tpu.dma_semaphore, #tpu.memory_space<semaphore_mem>>) src(%dma_wait3A_145 : memref<10000x128xf32, #tpu.memory_space<hbm>>) dst(%arg8 : memref<128x128xf32, #tpu.memory_space<vmem>>)
        "tpu.region"() ({
          %run_scoped3A = tpu.sem_alloc : memref<!tpu.dma_semaphore, #tpu.memory_space<semaphore_mem>>
          %dma_start3A_168 = arith.constant 0 : i32
          %dma_start3A_169 = tpu.memref_slice %arg7[%mul3A_139, %dma_start3A_168] : memref<40x128xi32, #tpu.memory_space<vmem>> -> memref<1x128xi32, #tpu.memory_space<vmem>>
          %dma_start3A_170 = tpu.memref_squeeze %dma_start3A_169 : memref<1x128xi32, #tpu.memory_space<vmem>> -> memref<128xi32, #tpu.memory_space<vmem>>
          %dma_start3A_171 = arith.constant 0 : i32
          %dma_start3A_172 = arith.constant 0 : i32
          %dma_start3A_173 = tpu.memref_slice %arg10[%dma_start3A_171, %dma_start3A_172] : memref<10240x128xf32, #tpu.memory_space<vmem_shared>> -> memref<10240x128xf32, #tpu.memory_space<vmem_shared>>
          tpu.enqueue_indirect_dma source(%arg8 : memref<128x128xf32, #tpu.memory_space<vmem>>) target(%dma_start3A_173 : memref<10240x128xf32, #tpu.memory_space<vmem_shared>>) offsets(%dma_start3A_170 : memref<128xi32, #tpu.memory_space<vmem>>) semaphore(%run_scoped3A : memref<!tpu.dma_semaphore, #tpu.memory_space<semaphore_mem>>) {add = true}
          %dma_wait3A_174 = arith.constant 0 : i32
          %dma_wait3A_175 = tpu.memref_slice %arg7[%mul3A_139, %dma_wait3A_174] : memref<40x128xi32, #tpu.memory_space<vmem>> -> memref<1x128xi32, #tpu.memory_space<vmem>>
          %dma_wait3A_176 = tpu.memref_squeeze %dma_wait3A_175 : memref<1x128xi32, #tpu.memory_space<vmem>> -> memref<128xi32, #tpu.memory_space<vmem>>
          %dma_wait3A_177 = arith.constant 0 : i32
          %dma_wait3A_178 = arith.constant 0 : i32
          %dma_wait3A_179 = tpu.memref_slice %arg10[%dma_wait3A_177, %dma_wait3A_178] : memref<10240x128xf32, #tpu.memory_space<vmem_shared>> -> memref<10240x128xf32, #tpu.memory_space<vmem_shared>>
          tpu.wait_indirect_dma semaphore(%run_scoped3A : memref<!tpu.dma_semaphore, #tpu.memory_space<semaphore_mem>>) src(%arg8 : memref<128x128xf32, #tpu.memory_space<vmem>>) dst(%dma_wait3A_179 : memref<10240x128xf32, #tpu.memory_space<vmem_shared>>)
          tpu.yield
        }) : () -> ()
        %add3A_146 = arith.constant 2 : i32
        %add3A_147 = arith.addi %mul3A_139, %add3A_146 : i32
        %lt3A = arith.constant 40 : i32
        %lt3A_148 = arith.cmpi slt, %add3A_147, %lt3A : i32
        %convert_element_type3A = arith.extui %lt3A_148 : i1 to i32
        %cond3A = arith.constant 0 : i32
        %cond3A_149 = arith.cmpi ne, %convert_element_type3A, %cond3A : i32
        scf.if %cond3A_149 {
          %add3A_168 = arith.constant 2 : i32
          %add3A_169 = arith.addi %mul3A_139, %add3A_168 : i32
          %dma_start3A_170 = arith.constant 0 : i32
          %dma_start3A_171 = arith.constant 0 : i32
          %dma_start3A_172 = tpu.memref_slice %arg8[%dma_start3A_170, %dma_start3A_171] : memref<128x128xf32, #tpu.memory_space<vmem>> -> memref<32x128xf32, #tpu.memory_space<vmem>>
          %dma_start3A_173 = arith.constant 0 : i32
          %dma_start3A_174 = tpu.memref_slice %arg6[%add3A_169, %dma_start3A_173] : memref<40x128xi32, #tpu.memory_space<vmem>> -> memref<1x32xi32, #tpu.memory_space<vmem>>
          %dma_start3A_175 = tpu.memref_squeeze %dma_start3A_174 : memref<1x32xi32, #tpu.memory_space<vmem>> -> memref<32xi32, #tpu.memory_space<vmem>>
          %dma_start3A_176 = arith.constant 0 : i32
          %dma_start3A_177 = arith.constant 0 : i32
          %dma_start3A_178 = tpu.memref_slice %arg2[%dma_start3A_176, %dma_start3A_177] : memref<10000x128xf32, #tpu.memory_space<hbm>> -> memref<10000x128xf32, #tpu.memory_space<hbm>>
          tpu.enqueue_indirect_dma source(%dma_start3A_178 : memref<10000x128xf32, #tpu.memory_space<hbm>>) target(%dma_start3A_172 : memref<32x128xf32, #tpu.memory_space<vmem>>) offsets(%dma_start3A_175 : memref<32xi32, #tpu.memory_space<vmem>>) semaphore(%arg11 : memref<!tpu.dma_semaphore, #tpu.memory_space<semaphore_mem>>)
          %dma_start3A_179 = arith.constant 32 : i32
          %dma_start3A_180 = arith.constant 0 : i32
          %dma_start3A_181 = tpu.memref_slice %arg8[%dma_start3A_179, %dma_start3A_180] : memref<128x128xf32, #tpu.memory_space<vmem>> -> memref<32x128xf32, #tpu.memory_space<vmem>>
          %dma_start3A_182 = arith.constant 32 : i32
          %dma_start3A_183 = tpu.memref_slice %arg6[%add3A_169, %dma_start3A_182] : memref<40x128xi32, #tpu.memory_space<vmem>> -> memref<1x32xi32, #tpu.memory_space<vmem>>
          %dma_start3A_184 = tpu.memref_squeeze %dma_start3A_183 : memref<1x32xi32, #tpu.memory_space<vmem>> -> memref<32xi32, #tpu.memory_space<vmem>>
          %dma_start3A_185 = arith.constant 0 : i32
          %dma_start3A_186 = arith.constant 0 : i32
          %dma_start3A_187 = tpu.memref_slice %arg2[%dma_start3A_185, %dma_start3A_186] : memref<10000x128xf32, #tpu.memory_space<hbm>> -> memref<10000x128xf32, #tpu.memory_space<hbm>>
          tpu.enqueue_indirect_dma source(%dma_start3A_187 : memref<10000x128xf32, #tpu.memory_space<hbm>>) target(%dma_start3A_181 : memref<32x128xf32, #tpu.memory_space<vmem>>) offsets(%dma_start3A_184 : memref<32xi32, #tpu.memory_space<vmem>>) semaphore(%arg11 : memref<!tpu.dma_semaphore, #tpu.memory_space<semaphore_mem>>)
          %dma_start3A_188 = arith.constant 64 : i32
          %dma_start3A_189 = arith.constant 0 : i32
          %dma_start3A_190 = tpu.memref_slice %arg8[%dma_start3A_188, %dma_start3A_189] : memref<128x128xf32, #tpu.memory_space<vmem>> -> memref<32x128xf32, #tpu.memory_space<vmem>>
          %dma_start3A_191 = arith.constant 64 : i32
          %dma_start3A_192 = tpu.memref_slice %arg6[%add3A_169, %dma_start3A_191] : memref<40x128xi32, #tpu.memory_space<vmem>> -> memref<1x32xi32, #tpu.memory_space<vmem>>
          %dma_start3A_193 = tpu.memref_squeeze %dma_start3A_192 : memref<1x32xi32, #tpu.memory_space<vmem>> -> memref<32xi32, #tpu.memory_space<vmem>>
          %dma_start3A_194 = arith.constant 0 : i32
          %dma_start3A_195 = arith.constant 0 : i32
          %dma_start3A_196 = tpu.memref_slice %arg2[%dma_start3A_194, %dma_start3A_195] : memref<10000x128xf32, #tpu.memory_space<hbm>> -> memref<10000x128xf32, #tpu.memory_space<hbm>>
          tpu.enqueue_indirect_dma source(%dma_start3A_196 : memref<10000x128xf32, #tpu.memory_space<hbm>>) target(%dma_start3A_190 : memref<32x128xf32, #tpu.memory_space<vmem>>) offsets(%dma_start3A_193 : memref<32xi32, #tpu.memory_space<vmem>>) semaphore(%arg11 : memref<!tpu.dma_semaphore, #tpu.memory_space<semaphore_mem>>)
          %dma_start3A_197 = arith.constant 96 : i32
          %dma_start3A_198 = arith.constant 0 : i32
          %dma_start3A_199 = tpu.memref_slice %arg8[%dma_start3A_197, %dma_start3A_198] : memref<128x128xf32, #tpu.memory_space<vmem>> -> memref<32x128xf32, #tpu.memory_space<vmem>>
          %dma_start3A_200 = arith.constant 96 : i32
          %dma_start3A_201 = tpu.memref_slice %arg6[%add3A_169, %dma_start3A_200] : memref<40x128xi32, #tpu.memory_space<vmem>> -> memref<1x32xi32, #tpu.memory_space<vmem>>
          %dma_start3A_202 = tpu.memref_squeeze %dma_start3A_201 : memref<1x32xi32, #tpu.memory_space<vmem>> -> memref<32xi32, #tpu.memory_space<vmem>>
          %dma_start3A_203 = arith.constant 0 : i32
          %dma_start3A_204 = arith.constant 0 : i32
          %dma_start3A_205 = tpu.memref_slice %arg2[%dma_start3A_203, %dma_start3A_204] : memref<10000x128xf32, #tpu.memory_space<hbm>> -> memref<10000x128xf32, #tpu.memory_space<hbm>>
          tpu.enqueue_indirect_dma source(%dma_start3A_205 : memref<10000x128xf32, #tpu.memory_space<hbm>>) target(%dma_start3A_199 : memref<32x128xf32, #tpu.memory_space<vmem>>) offsets(%dma_start3A_202 : memref<32xi32, #tpu.memory_space<vmem>>) semaphore(%arg11 : memref<!tpu.dma_semaphore, #tpu.memory_space<semaphore_mem>>)
        } else {
        }
        %mul3A_150 = arith.constant 2 : i32
        %mul3A_151 = arith.muli %mul3A_150, %add3A_137 : i32
        %add3A_152 = arith.constant 1 : i32
        %add3A_153 = arith.addi %mul3A_151, %add3A_152 : i32
        %dma_wait3A_154 = arith.constant 0 : i32
        %dma_wait3A_155 = arith.constant 0 : i32
        %dma_wait3A_156 = tpu.memref_slice %arg6[%dma_wait3A_154, %dma_wait3A_155] : memref<40x128xi32, #tpu.memory_space<vmem>> -> memref<1x128xi32, #tpu.memory_space<vmem>>
        %dma_wait3A_157 = tpu.memref_squeeze %dma_wait3A_156 : memref<1x128xi32, #tpu.memory_space<vmem>> -> memref<128xi32, #tpu.memory_space<vmem>>
        %dma_wait3A_158 = arith.constant 0 : i32
        %dma_wait3A_159 = arith.constant 0 : i32
        %dma_wait3A_160 = tpu.memref_slice %arg2[%dma_wait3A_158, %dma_wait3A_159] : memref<10000x128xf32, #tpu.memory_space<hbm>> -> memref<10000x128xf32, #tpu.memory_space<hbm>>
        tpu.wait_indirect_dma semaphore(%arg12 : memref<!tpu.dma_semaphore, #tpu.memory_space<semaphore_mem>>) src(%dma_wait3A_160 : memref<10000x128xf32, #tpu.memory_space<hbm>>) dst(%arg9 : memref<128x128xf32, #tpu.memory_space<vmem>>)
        "tpu.region"() ({
          %run_scoped3A = tpu.sem_alloc : memref<!tpu.dma_semaphore, #tpu.memory_space<semaphore_mem>>
          %dma_start3A_168 = arith.constant 0 : i32
          %dma_start3A_169 = tpu.memref_slice %arg7[%add3A_153, %dma_start3A_168] : memref<40x128xi32, #tpu.memory_space<vmem>> -> memref<1x128xi32, #tpu.memory_space<vmem>>
          %dma_start3A_170 = tpu.memref_squeeze %dma_start3A_169 : memref<1x128xi32, #tpu.memory_space<vmem>> -> memref<128xi32, #tpu.memory_space<vmem>>
          %dma_start3A_171 = arith.constant 0 : i32
          %dma_start3A_172 = arith.constant 0 : i32
          %dma_start3A_173 = tpu.memref_slice %arg10[%dma_start3A_171, %dma_start3A_172] : memref<10240x128xf32, #tpu.memory_space<vmem_shared>> -> memref<10240x128xf32, #tpu.memory_space<vmem_shared>>
          tpu.enqueue_indirect_dma source(%arg9 : memref<128x128xf32, #tpu.memory_space<vmem>>) target(%dma_start3A_173 : memref<10240x128xf32, #tpu.memory_space<vmem_shared>>) offsets(%dma_start3A_170 : memref<128xi32, #tpu.memory_space<vmem>>) semaphore(%run_scoped3A : memref<!tpu.dma_semaphore, #tpu.memory_space<semaphore_mem>>) {add = true}
          %dma_wait3A_174 = arith.constant 0 : i32
          %dma_wait3A_175 = tpu.memref_slice %arg7[%add3A_153, %dma_wait3A_174] : memref<40x128xi32, #tpu.memory_space<vmem>> -> memref<1x128xi32, #tpu.memory_space<vmem>>
          %dma_wait3A_176 = tpu.memref_squeeze %dma_wait3A_175 : memref<1x128xi32, #tpu.memory_space<vmem>> -> memref<128xi32, #tpu.memory_space<vmem>>
          %dma_wait3A_177 = arith.constant 0 : i32
          %dma_wait3A_178 = arith.constant 0 : i32
          %dma_wait3A_179 = tpu.memref_slice %arg10[%dma_wait3A_177, %dma_wait3A_178] : memref<10240x128xf32, #tpu.memory_space<vmem_shared>> -> memref<10240x128xf32, #tpu.memory_space<vmem_shared>>
          tpu.wait_indirect_dma semaphore(%run_scoped3A : memref<!tpu.dma_semaphore, #tpu.memory_space<semaphore_mem>>) src(%arg9 : memref<128x128xf32, #tpu.memory_space<vmem>>) dst(%dma_wait3A_179 : memref<10240x128xf32, #tpu.memory_space<vmem_shared>>)
          tpu.yield
        }) : () -> ()
        %add3A_161 = arith.constant 2 : i32
        %add3A_162 = arith.addi %add3A_153, %add3A_161 : i32
        %lt3A_163 = arith.constant 40 : i32
        %lt3A_164 = arith.cmpi slt, %add3A_162, %lt3A_163 : i32
        %convert_element_type3A_165 = arith.extui %lt3A_164 : i1 to i32
        %cond3A_166 = arith.constant 0 : i32
        %cond3A_167 = arith.cmpi ne, %convert_element_type3A_165, %cond3A_166 : i32
        scf.if %cond3A_167 {
          %add3A_168 = arith.constant 2 : i32
          %add3A_169 = arith.addi %add3A_153, %add3A_168 : i32
          %dma_start3A_170 = arith.constant 0 : i32
          %dma_start3A_171 = arith.constant 0 : i32
          %dma_start3A_172 = tpu.memref_slice %arg9[%dma_start3A_170, %dma_start3A_171] : memref<128x128xf32, #tpu.memory_space<vmem>> -> memref<32x128xf32, #tpu.memory_space<vmem>>
          %dma_start3A_173 = arith.constant 0 : i32
          %dma_start3A_174 = tpu.memref_slice %arg6[%add3A_169, %dma_start3A_173] : memref<40x128xi32, #tpu.memory_space<vmem>> -> memref<1x32xi32, #tpu.memory_space<vmem>>
          %dma_start3A_175 = tpu.memref_squeeze %dma_start3A_174 : memref<1x32xi32, #tpu.memory_space<vmem>> -> memref<32xi32, #tpu.memory_space<vmem>>
          %dma_start3A_176 = arith.constant 0 : i32
          %dma_start3A_177 = arith.constant 0 : i32
          %dma_start3A_178 = tpu.memref_slice %arg2[%dma_start3A_176, %dma_start3A_177] : memref<10000x128xf32, #tpu.memory_space<hbm>> -> memref<10000x128xf32, #tpu.memory_space<hbm>>
          tpu.enqueue_indirect_dma source(%dma_start3A_178 : memref<10000x128xf32, #tpu.memory_space<hbm>>) target(%dma_start3A_172 : memref<32x128xf32, #tpu.memory_space<vmem>>) offsets(%dma_start3A_175 : memref<32xi32, #tpu.memory_space<vmem>>) semaphore(%arg12 : memref<!tpu.dma_semaphore, #tpu.memory_space<semaphore_mem>>)
          %dma_start3A_179 = arith.constant 32 : i32
          %dma_start3A_180 = arith.constant 0 : i32
          %dma_start3A_181 = tpu.memref_slice %arg9[%dma_start3A_179, %dma_start3A_180] : memref<128x128xf32, #tpu.memory_space<vmem>> -> memref<32x128xf32, #tpu.memory_space<vmem>>
          %dma_start3A_182 = arith.constant 32 : i32
          %dma_start3A_183 = tpu.memref_slice %arg6[%add3A_169, %dma_start3A_182] : memref<40x128xi32, #tpu.memory_space<vmem>> -> memref<1x32xi32, #tpu.memory_space<vmem>>
          %dma_start3A_184 = tpu.memref_squeeze %dma_start3A_183 : memref<1x32xi32, #tpu.memory_space<vmem>> -> memref<32xi32, #tpu.memory_space<vmem>>
          %dma_start3A_185 = arith.constant 0 : i32
          %dma_start3A_186 = arith.constant 0 : i32
          %dma_start3A_187 = tpu.memref_slice %arg2[%dma_start3A_185, %dma_start3A_186] : memref<10000x128xf32, #tpu.memory_space<hbm>> -> memref<10000x128xf32, #tpu.memory_space<hbm>>
          tpu.enqueue_indirect_dma source(%dma_start3A_187 : memref<10000x128xf32, #tpu.memory_space<hbm>>) target(%dma_start3A_181 : memref<32x128xf32, #tpu.memory_space<vmem>>) offsets(%dma_start3A_184 : memref<32xi32, #tpu.memory_space<vmem>>) semaphore(%arg12 : memref<!tpu.dma_semaphore, #tpu.memory_space<semaphore_mem>>)
          %dma_start3A_188 = arith.constant 64 : i32
          %dma_start3A_189 = arith.constant 0 : i32
          %dma_start3A_190 = tpu.memref_slice %arg9[%dma_start3A_188, %dma_start3A_189] : memref<128x128xf32, #tpu.memory_space<vmem>> -> memref<32x128xf32, #tpu.memory_space<vmem>>
          %dma_start3A_191 = arith.constant 64 : i32
          %dma_start3A_192 = tpu.memref_slice %arg6[%add3A_169, %dma_start3A_191] : memref<40x128xi32, #tpu.memory_space<vmem>> -> memref<1x32xi32, #tpu.memory_space<vmem>>
          %dma_start3A_193 = tpu.memref_squeeze %dma_start3A_192 : memref<1x32xi32, #tpu.memory_space<vmem>> -> memref<32xi32, #tpu.memory_space<vmem>>
          %dma_start3A_194 = arith.constant 0 : i32
          %dma_start3A_195 = arith.constant 0 : i32
          %dma_start3A_196 = tpu.memref_slice %arg2[%dma_start3A_194, %dma_start3A_195] : memref<10000x128xf32, #tpu.memory_space<hbm>> -> memref<10000x128xf32, #tpu.memory_space<hbm>>
          tpu.enqueue_indirect_dma source(%dma_start3A_196 : memref<10000x128xf32, #tpu.memory_space<hbm>>) target(%dma_start3A_190 : memref<32x128xf32, #tpu.memory_space<vmem>>) offsets(%dma_start3A_193 : memref<32xi32, #tpu.memory_space<vmem>>) semaphore(%arg12 : memref<!tpu.dma_semaphore, #tpu.memory_space<semaphore_mem>>)
          %dma_start3A_197 = arith.constant 96 : i32
          %dma_start3A_198 = arith.constant 0 : i32
          %dma_start3A_199 = tpu.memref_slice %arg9[%dma_start3A_197, %dma_start3A_198] : memref<128x128xf32, #tpu.memory_space<vmem>> -> memref<32x128xf32, #tpu.memory_space<vmem>>
          %dma_start3A_200 = arith.constant 96 : i32
          %dma_start3A_201 = tpu.memref_slice %arg6[%add3A_169, %dma_start3A_200] : memref<40x128xi32, #tpu.memory_space<vmem>> -> memref<1x32xi32, #tpu.memory_space<vmem>>
          %dma_start3A_202 = tpu.memref_squeeze %dma_start3A_201 : memref<1x32xi32, #tpu.memory_space<vmem>> -> memref<32xi32, #tpu.memory_space<vmem>>
          %dma_start3A_203 = arith.constant 0 : i32
          %dma_start3A_204 = arith.constant 0 : i32
          %dma_start3A_205 = tpu.memref_slice %arg2[%dma_start3A_203, %dma_start3A_204] : memref<10000x128xf32, #tpu.memory_space<hbm>> -> memref<10000x128xf32, #tpu.memory_space<hbm>>
          tpu.enqueue_indirect_dma source(%dma_start3A_205 : memref<10000x128xf32, #tpu.memory_space<hbm>>) target(%dma_start3A_199 : memref<32x128xf32, #tpu.memory_space<vmem>>) offsets(%dma_start3A_202 : memref<32xi32, #tpu.memory_space<vmem>>) semaphore(%arg12 : memref<!tpu.dma_semaphore, #tpu.memory_space<semaphore_mem>>)
        } else {
        }
      }
      %scan3A_132 = arith.constant 20 : i32
    }
    %barrier3A_35 = arith.constant 0 : index
    tpu.barrier barrier_id(%barrier3A_35)
    %mul3A_36 = arith.constant 640 : i32
    %mul3A_37 = arith.muli %arg1, %mul3A_36 : i32
    %mul3A_38 = arith.constant 640 : i32
    %mul3A_39 = arith.muli %arg1, %mul3A_38 : i32
    "tpu.region"() ({
      %run_scoped3A = tpu.sem_alloc : memref<!tpu.dma_semaphore, #tpu.memory_space<semaphore_mem>>
      %dma_start3A = arith.constant 0 : i32
      %dma_start3A_40 = tpu.memref_slice %arg5[%arg0, %mul3A_39, %dma_start3A] : memref<2x10240x128xf32, #tpu.memory_space<hbm>> -> memref<1x640x128xf32, #tpu.memory_space<hbm>>
      %dma_start3A_41 = tpu.memref_squeeze %dma_start3A_40 : memref<1x640x128xf32, #tpu.memory_space<hbm>> -> memref<640x128xf32, #tpu.memory_space<hbm>>
      %dma_start3A_42 = arith.constant 0 : i32
      %dma_start3A_43 = tpu.memref_slice %arg10[%mul3A_37, %dma_start3A_42] : memref<10240x128xf32, #tpu.memory_space<vmem_shared>> -> memref<640x128xf32, #tpu.memory_space<vmem_shared>>
      tpu.enqueue_dma source(%dma_start3A_43 : memref<640x128xf32, #tpu.memory_space<vmem_shared>>) target(%dma_start3A_41 : memref<640x128xf32, #tpu.memory_space<hbm>>) target_semaphore(%run_scoped3A : memref<!tpu.dma_semaphore, #tpu.memory_space<semaphore_mem>>)
      %dma_wait3A = arith.constant 0 : i32
      %dma_wait3A_44 = tpu.memref_slice %arg5[%arg0, %mul3A_39, %dma_wait3A] : memref<2x10240x128xf32, #tpu.memory_space<hbm>> -> memref<1x640x128xf32, #tpu.memory_space<hbm>>
      %dma_wait3A_45 = tpu.memref_squeeze %dma_wait3A_44 : memref<1x640x128xf32, #tpu.memory_space<hbm>> -> memref<640x128xf32, #tpu.memory_space<hbm>>
      %dma_wait3A_46 = arith.constant 0 : i32
      %dma_wait3A_47 = tpu.memref_slice %arg10[%mul3A_37, %dma_wait3A_46] : memref<10240x128xf32, #tpu.memory_space<vmem_shared>> -> memref<640x128xf32, #tpu.memory_space<vmem_shared>>
      tpu.wait_dma2 semaphore(%run_scoped3A : memref<!tpu.dma_semaphore, #tpu.memory_space<semaphore_mem>>) src(%dma_wait3A_47 : memref<640x128xf32, #tpu.memory_space<vmem_shared>>) dst(%dma_wait3A_45 : memref<640x128xf32, #tpu.memory_space<hbm>>)
      tpu.yield
    }) : () -> ()
    return
  }
}

#map = affine_map<(d0, d1) -> (0)>
#map1 = affine_map<(d0, d1) -> (0, 0)>
module attributes {stable_mosaic.version = 14 : i64} {
  func.func @_deg_kernel(%arg0: i32, %arg1: i32, %arg2: memref<327680xi32, #tpu.memory_space<hbm>>, %arg3: memref<32x10240xf32, #tpu.memory_space<hbm>>, %arg4: memref<10240xi32, #tpu.memory_space<vmem>>, %arg5: memref<10240xf32, #tpu.memory_space<vmem>>) attributes {dimension_semantics = [#tpu.dimension_semantics<core_parallel>, #tpu.dimension_semantics<subcore_parallel>], iteration_bounds = array<i64: 2, 16>, scalar_prefetch = 0 : i64, scratch_operands = 2 : i64, tpu.core_type = #tpu.core_type<sc_vector_subcore>, window_params = [{transform_indices = #map}, {transform_indices = #map1}]} {
    %mul3A = arith.constant 16 : i32
    %mul3A_0 = arith.muli %arg0, %mul3A : i32
    %add3A = arith.addi %mul3A_0, %arg1 : i32
    %mul3A_1 = arith.constant 10240 : i32
    %mul3A_2 = arith.muli %add3A, %mul3A_1 : i32
    "tpu.region"() ({
      %run_scoped3A = tpu.sem_alloc : memref<!tpu.dma_semaphore, #tpu.memory_space<semaphore_mem>>
      %dma_start3A = tpu.memref_slice %arg2[%mul3A_2] : memref<327680xi32, #tpu.memory_space<hbm>> -> memref<10240xi32, #tpu.memory_space<hbm>>
      %dma_start3A_15 = tpu.memref_slice %arg2[%mul3A_2] : memref<327680xi32, #tpu.memory_space<hbm>> -> memref<10240xi32, #tpu.memory_space<hbm>>
      tpu.enqueue_dma source(%dma_start3A_15 : memref<10240xi32, #tpu.memory_space<hbm>>) target(%arg4 : memref<10240xi32, #tpu.memory_space<vmem>>) target_semaphore(%run_scoped3A : memref<!tpu.dma_semaphore, #tpu.memory_space<semaphore_mem>>)
      %dma_wait3A = tpu.memref_slice %arg2[%mul3A_2] : memref<327680xi32, #tpu.memory_space<hbm>> -> memref<10240xi32, #tpu.memory_space<hbm>>
      %dma_wait3A_16 = tpu.memref_slice %arg2[%mul3A_2] : memref<327680xi32, #tpu.memory_space<hbm>> -> memref<10240xi32, #tpu.memory_space<hbm>>
      tpu.wait_dma2 semaphore(%run_scoped3A : memref<!tpu.dma_semaphore, #tpu.memory_space<semaphore_mem>>) src(%dma_wait3A_16 : memref<10240xi32, #tpu.memory_space<hbm>>) dst(%arg4 : memref<10240xi32, #tpu.memory_space<vmem>>)
      tpu.yield
    }) : () -> ()
    %broadcast_in_dim3A = arith.constant 0.000000e+00 : f32
    %broadcast_in_dim3A_3 = vector.broadcast %broadcast_in_dim3A : f32 to vector<16xf32>
    %scan3A = arith.constant 0 : i32
    %scan3A_4 = arith.constant 640 : i32
    %scan3A_5 = arith.addi %scan3A, %scan3A_4 : i32
    %scan3A_6 = arith.constant 1 : i32
    scf.for %scan3A_15 = %scan3A to %scan3A_5 step %scan3A_6  : i32 {
      %mul3A_16 = arith.constant 1 : i32
      %mul3A_17 = arith.muli %scan3A_15, %mul3A_16 : i32
      %add3A_18 = arith.constant 0 : i32
      %add3A_19 = arith.addi %add3A_18, %mul3A_17 : i32
      %mul3A_20 = arith.constant 16 : i32
      %mul3A_21 = arith.muli %add3A_19, %mul3A_20 : i32
      %swap3A = arith.index_cast %mul3A_21 : i32 to index
      %swap3A_22 = tpu.vector_load %arg5[%swap3A] {strides = array<i32>} : memref<10240xf32, #tpu.memory_space<vmem>>, vector<16xf32>,
      tpu.vector_store %arg5[%swap3A], %broadcast_in_dim3A_3 {strides = array<i32>} : memref<10240xf32, #tpu.memory_space<vmem>>, vector<16xf32>,
    }
    %scan3A_7 = arith.constant 640 : i32
    %broadcast_in_dim3A_8 = arith.constant 1.000000e+00 : f32
    %broadcast_in_dim3A_9 = vector.broadcast %broadcast_in_dim3A_8 : f32 to vector<16xf32>
    %scan3A_10 = arith.constant 0 : i32
    %scan3A_11 = arith.constant 640 : i32
    %scan3A_12 = arith.addi %scan3A_10, %scan3A_11 : i32
    %scan3A_13 = arith.constant 1 : i32
    scf.for %scan3A_15 = %scan3A_10 to %scan3A_12 step %scan3A_13  : i32 {
      %mul3A_16 = arith.constant 1 : i32
      %mul3A_17 = arith.muli %scan3A_15, %mul3A_16 : i32
      %add3A_18 = arith.constant 0 : i32
      %add3A_19 = arith.addi %add3A_18, %mul3A_17 : i32
      %mul3A_20 = arith.constant 16 : i32
      %mul3A_21 = arith.muli %add3A_19, %mul3A_20 : i32
      %get3A = arith.index_cast %mul3A_21 : i32 to index
      %get3A_22 = tpu.vector_load %arg4[%get3A] {strides = array<i32>} : memref<10240xi32, #tpu.memory_space<vmem>>, vector<16xi32>,
      tpu.vector_store_idx %arg5[%get3A_22], %broadcast_in_dim3A_9 {add = true} : memref<10240xf32, #tpu.memory_space<vmem>>[vector<16xi32>], vector<16xf32>,
    }
    %scan3A_14 = arith.constant 640 : i32
    "tpu.region"() ({
      %run_scoped3A = tpu.sem_alloc : memref<!tpu.dma_semaphore, #tpu.memory_space<semaphore_mem>>
      %dma_start3A = arith.constant 0 : i32
      %dma_start3A_15 = tpu.memref_slice %arg3[%add3A, %dma_start3A] : memref<32x10240xf32, #tpu.memory_space<hbm>> -> memref<1x10240xf32, #tpu.memory_space<hbm>>
      %dma_start3A_16 = tpu.memref_squeeze %dma_start3A_15 : memref<1x10240xf32, #tpu.memory_space<hbm>> -> memref<10240xf32, #tpu.memory_space<hbm>>
      %dma_start3A_17 = arith.constant 0 : i32
      %dma_start3A_18 = tpu.memref_slice %arg3[%add3A, %dma_start3A_17] : memref<32x10240xf32, #tpu.memory_space<hbm>> -> memref<1x10240xf32, #tpu.memory_space<hbm>>
      %dma_start3A_19 = tpu.memref_squeeze %dma_start3A_18 : memref<1x10240xf32, #tpu.memory_space<hbm>> -> memref<10240xf32, #tpu.memory_space<hbm>>
      tpu.enqueue_dma source(%arg5 : memref<10240xf32, #tpu.memory_space<vmem>>) target(%dma_start3A_19 : memref<10240xf32, #tpu.memory_space<hbm>>) target_semaphore(%run_scoped3A : memref<!tpu.dma_semaphore, #tpu.memory_space<semaphore_mem>>)
      %dma_wait3A = arith.constant 0 : i32
      %dma_wait3A_20 = tpu.memref_slice %arg3[%add3A, %dma_wait3A] : memref<32x10240xf32, #tpu.memory_space<hbm>> -> memref<1x10240xf32, #tpu.memory_space<hbm>>
      %dma_wait3A_21 = tpu.memref_squeeze %dma_wait3A_20 : memref<1x10240xf32, #tpu.memory_space<hbm>> -> memref<10240xf32, #tpu.memory_space<hbm>>
      %dma_wait3A_22 = arith.constant 0 : i32
      %dma_wait3A_23 = tpu.memref_slice %arg3[%add3A, %dma_wait3A_22] : memref<32x10240xf32, #tpu.memory_space<hbm>> -> memref<1x10240xf32, #tpu.memory_space<hbm>>
      %dma_wait3A_24 = tpu.memref_squeeze %dma_wait3A_23 : memref<1x10240xf32, #tpu.memory_space<hbm>> -> memref<10240xf32, #tpu.memory_space<hbm>>
      tpu.wait_dma2 semaphore(%run_scoped3A : memref<!tpu.dma_semaphore, #tpu.memory_space<semaphore_mem>>) src(%arg5 : memref<10240xf32, #tpu.memory_space<vmem>>) dst(%dma_wait3A_24 : memref<10240xf32, #tpu.memory_space<hbm>>)
      tpu.yield
    }) : () -> ()
    return
  }
}

module attributes {stable_mosaic.version = 14 : i64} {
  func.func @_matmul_body(%arg0: i32, %arg1: memref<1000x128xf32, #tpu.memory_space<vmem>>, %arg2: memref<128x128xf32, #tpu.memory_space<vmem>>, %arg3: memref<1000x128xf32, #tpu.memory_space<vmem>>) attributes {dimension_semantics = [#tpu.dimension_semantics<arbitrary>], iteration_bounds = array<i64: 10>, scalar_prefetch = 0 : i64, scratch_operands = 0 : i64, tpu.core_type = #tpu.core_type<tc>, window_params = [{transform_indices = @transform_0, window_bounds = array<i64: 1000, 128>}, {pipeline_mode = #tpu.pipeline_mode<synchronous>, transform_indices = @transform_1, window_bounds = array<i64: 128, 128>}, {transform_indices = @transform_2, window_bounds = array<i64: 1000, 128>}]} {
    %get3A = arith.constant 0 : index
    %get3A_0 = arith.constant 0 : index
    %get3A_1 = vector.load %arg1[%get3A, %get3A_0] : memref<1000x128xf32, #tpu.memory_space<vmem>>, vector<1000x128xf32>
    %get3A_2 = arith.constant 0 : index
    %get3A_3 = arith.constant 0 : index
    %get3A_4 = vector.load %arg2[%get3A_2, %get3A_3] : memref<128x128xf32, #tpu.memory_space<vmem>>, vector<128x128xf32>
    %dot_general3A = arith.constant dense<0.000000e+00> : vector<1000x128xf32>
    %dot_general3A_5 = tpu.matmul %get3A_1, %get3A_4, %dot_general3A {dimension_numbers = #tpu.dot_dimension_numbers<[1], [1], [0], [0], [0, 0, 1, 0], [], []>, transpose_lhs_hint = false} : vector<1000x128xf32>, vector<128x128xf32>, vector<1000x128xf32> -> vector<1000x128xf32>
    %swap3A = arith.constant 0 : index
    %swap3A_6 = arith.constant 0 : index
    %swap3A_7 = vector.load %arg3[%swap3A, %swap3A_6] : memref<1000x128xf32, #tpu.memory_space<vmem>>, vector<1000x128xf32>
    tpu.vector_store %arg3[%swap3A, %swap3A_6], %dot_general3A_5 {strides = array<i32>} : memref<1000x128xf32, #tpu.memory_space<vmem>>, vector<1000x128xf32>,
    return
  }
  func.func @transform_0(%arg0: i32) -> (i32, i32) {
    %c0_i32 = arith.constant 0 : i32
    %c0_i32_0 = arith.constant 0 : i32
    return %arg0, %c0_i32 : i32, i32
  }
  func.func @transform_1(%arg0: i32) -> (i32, i32) {
    %c0_i32 = arith.constant 0 : i32
    %c0_i32_0 = arith.constant 0 : i32
    %c0_i32_1 = arith.constant 0 : i32
    return %c0_i32, %c0_i32_0 : i32, i32
  }
  func.func @transform_2(%arg0: i32) -> (i32, i32) {
    %c0_i32 = arith.constant 0 : i32
    %c0_i32_0 = arith.constant 0 : i32
    return %arg0, %c0_i32 : i32, i32
  }
}

module attributes {stable_mosaic.version = 14 : i64} {
  func.func @_dis_body(%arg0: memref<32x80x128xf32, #tpu.memory_space<vmem>>, %arg1: memref<80x128xf32, #tpu.memory_space<vmem>>) attributes {dimension_semantics = [], scalar_prefetch = 0 : i64, scratch_operands = 0 : i64, tpu.core_type = #tpu.core_type<tc>} {
    %get3A = arith.constant 0 : index
    %get3A_0 = arith.constant 0 : index
    %get3A_1 = arith.constant 0 : index
    %get3A_2 = vector.load %arg0[%get3A, %get3A_0, %get3A_1] : memref<32x80x128xf32, #tpu.memory_space<vmem>>, vector<32x80x128xf32>
    %reduce_sum3A = arith.constant dense<0.000000e+00> : vector<80x128xf32>
    %reduce_sum3A_3 = vector.multi_reduction <add>, %get3A_2, %reduce_sum3A [0] : vector<32x80x128xf32> to vector<80x128xf32>
    %add3A = arith.constant 1.000000e+00 : f32
    %add3A_4 = vector.broadcast %add3A : f32 to vector<80x128xf32>
    %add3A_5 = arith.addf %reduce_sum3A_3, %add3A_4 : vector<80x128xf32>
    %rsqrt3A = math.rsqrt %add3A_5 : vector<80x128xf32>
    %swap3A = arith.constant 0 : index
    %swap3A_6 = arith.constant 0 : index
    %swap3A_7 = vector.load %arg1[%swap3A, %swap3A_6] : memref<80x128xf32, #tpu.memory_space<vmem>>, vector<80x128xf32>
    tpu.vector_store %arg1[%swap3A, %swap3A_6], %rsqrt3A {strides = array<i32>} : memref<80x128xf32, #tpu.memory_space<vmem>>, vector<80x128xf32>,
    return
  }
}

module attributes {stable_mosaic.version = 14 : i64} {
  func.func @_scale_body(%arg0: i32, %arg1: memref<1000x128xf32, #tpu.memory_space<vmem>>, %arg2: memref<1000x1xf32, #tpu.memory_space<vmem>>, %arg3: memref<1000x128xf32, #tpu.memory_space<vmem>>) attributes {dimension_semantics = [#tpu.dimension_semantics<arbitrary>], iteration_bounds = array<i64: 10>, scalar_prefetch = 0 : i64, scratch_operands = 0 : i64, tpu.core_type = #tpu.core_type<tc>, window_params = [{transform_indices = @transform_0, window_bounds = array<i64: 1000, 128>}, {transform_indices = @transform_1, window_bounds = array<i64: 1000, 1>}, {transform_indices = @transform_2, window_bounds = array<i64: 1000, 128>}]} {
    %get3A = arith.constant 0 : index
    %get3A_0 = arith.constant 0 : index
    %get3A_1 = vector.load %arg1[%get3A, %get3A_0] : memref<1000x128xf32, #tpu.memory_space<vmem>>, vector<1000x128xf32>
    %get3A_2 = arith.constant 0 : index
    %get3A_3 = arith.constant 0 : index
    %get3A_4 = vector.load %arg2[%get3A_2, %get3A_3] : memref<1000x1xf32, #tpu.memory_space<vmem>>, vector<1000x1xf32>
    %mul3A = vector.broadcast %get3A_4 : vector<1000x1xf32> to vector<1000x128xf32>
    %mul3A_5 = arith.mulf %get3A_1, %mul3A : vector<1000x128xf32>
    %swap3A = arith.constant 0 : index
    %swap3A_6 = arith.constant 0 : index
    %swap3A_7 = vector.load %arg3[%swap3A, %swap3A_6] : memref<1000x128xf32, #tpu.memory_space<vmem>>, vector<1000x128xf32>
    tpu.vector_store %arg3[%swap3A, %swap3A_6], %mul3A_5 {strides = array<i32>} : memref<1000x128xf32, #tpu.memory_space<vmem>>, vector<1000x128xf32>,
    return
  }
  func.func @transform_0(%arg0: i32) -> (i32, i32) {
    %c0_i32 = arith.constant 0 : i32
    %c0_i32_0 = arith.constant 0 : i32
    return %arg0, %c0_i32 : i32, i32
  }
  func.func @transform_1(%arg0: i32) -> (i32, i32) {
    %c0_i32 = arith.constant 0 : i32
    %c0_i32_0 = arith.constant 0 : i32
    return %arg0, %c0_i32 : i32, i32
  }
  func.func @transform_2(%arg0: i32) -> (i32, i32) {
    %c0_i32 = arith.constant 0 : i32
    %c0_i32_0 = arith.constant 0 : i32
    return %arg0, %c0_i32 : i32, i32
  }
}

module attributes {stable_mosaic.version = 14 : i64} {
  func.func @_final_body(%arg0: i32, %arg1: memref<1000x128xf32, #tpu.memory_space<vmem>>, %arg2: memref<1000x128xf32, #tpu.memory_space<vmem>>, %arg3: memref<1000x128xf32, #tpu.memory_space<vmem>>, %arg4: memref<1000x1xf32, #tpu.memory_space<vmem>>, %arg5: memref<1x128xf32, #tpu.memory_space<vmem>>, %arg6: memref<1000x128xf32, #tpu.memory_space<vmem>>) attributes {dimension_semantics = [#tpu.dimension_semantics<arbitrary>], iteration_bounds = array<i64: 10>, scalar_prefetch = 0 : i64, scratch_operands = 0 : i64, tpu.core_type = #tpu.core_type<tc>, window_params = [{transform_indices = @transform_0, window_bounds = array<i64: 1000, 128>}, {transform_indices = @transform_1, window_bounds = array<i64: 1000, 128>}, {transform_indices = @transform_2, window_bounds = array<i64: 1000, 128>}, {transform_indices = @transform_3, window_bounds = array<i64: 1000, 1>}, {pipeline_mode = #tpu.pipeline_mode<synchronous>, transform_indices = @transform_4, window_bounds = array<i64: 1, 128>}, {transform_indices = @transform_5, window_bounds = array<i64: 1000, 128>}]} {
    %get3A = arith.constant 0 : index
    %get3A_0 = arith.constant 0 : index
    %get3A_1 = vector.load %arg4[%get3A, %get3A_0] : memref<1000x1xf32, #tpu.memory_space<vmem>>, vector<1000x1xf32>
    %get3A_2 = arith.constant 0 : index
    %get3A_3 = arith.constant 0 : index
    %get3A_4 = vector.load %arg1[%get3A_2, %get3A_3] : memref<1000x128xf32, #tpu.memory_space<vmem>>, vector<1000x128xf32>
    %get3A_5 = arith.constant 0 : index
    %get3A_6 = arith.constant 0 : index
    %get3A_7 = vector.load %arg2[%get3A_5, %get3A_6] : memref<1000x128xf32, #tpu.memory_space<vmem>>, vector<1000x128xf32>
    %add3A = arith.addf %get3A_4, %get3A_7 : vector<1000x128xf32>
    %get3A_8 = arith.constant 0 : index
    %get3A_9 = arith.constant 0 : index
    %get3A_10 = vector.load %arg3[%get3A_8, %get3A_9] : memref<1000x128xf32, #tpu.memory_space<vmem>>, vector<1000x128xf32>
    %add3A_11 = arith.addf %add3A, %get3A_10 : vector<1000x128xf32>
    %mul3A = vector.broadcast %get3A_1 : vector<1000x1xf32> to vector<1000x128xf32>
    %mul3A_12 = arith.mulf %mul3A, %add3A_11 : vector<1000x128xf32>
    %get3A_13 = arith.constant 0 : index
    %get3A_14 = arith.constant 0 : index
    %get3A_15 = vector.load %arg5[%get3A_13, %get3A_14] : memref<1x128xf32, #tpu.memory_space<vmem>>, vector<1x128xf32>
    %add3A_16 = vector.broadcast %get3A_15 : vector<1x128xf32> to vector<1000x128xf32>
    %add3A_17 = arith.addf %mul3A_12, %add3A_16 : vector<1000x128xf32>
    %swap3A = arith.constant 0 : index
    %swap3A_18 = arith.constant 0 : index
    %swap3A_19 = vector.load %arg6[%swap3A, %swap3A_18] : memref<1000x128xf32, #tpu.memory_space<vmem>>, vector<1000x128xf32>
    tpu.vector_store %arg6[%swap3A, %swap3A_18], %add3A_17 {strides = array<i32>} : memref<1000x128xf32, #tpu.memory_space<vmem>>, vector<1000x128xf32>,
    return
  }
  func.func @transform_0(%arg0: i32) -> (i32, i32) {
    %c0_i32 = arith.constant 0 : i32
    %c0_i32_0 = arith.constant 0 : i32
    return %arg0, %c0_i32 : i32, i32
  }
  func.func @transform_1(%arg0: i32) -> (i32, i32) {
    %c0_i32 = arith.constant 0 : i32
    %c0_i32_0 = arith.constant 0 : i32
    return %arg0, %c0_i32 : i32, i32
  }
  func.func @transform_2(%arg0: i32) -> (i32, i32) {
    %c0_i32 = arith.constant 0 : i32
    %c0_i32_0 = arith.constant 0 : i32
    return %arg0, %c0_i32 : i32, i32
  }
  func.func @transform_3(%arg0: i32) -> (i32, i32) {
    %c0_i32 = arith.constant 0 : i32
    %c0_i32_0 = arith.constant 0 : i32
    return %arg0, %c0_i32 : i32, i32
  }
  func.func @transform_4(%arg0: i32) -> (i32, i32) {
    %c0_i32 = arith.constant 0 : i32
    %c0_i32_0 = arith.constant 0 : i32
    %c0_i32_1 = arith.constant 0 : i32
    return %c0_i32, %c0_i32_0 : i32, i32
  }
  func.func @transform_5(%arg0: i32) -> (i32, i32) {
    %c0_i32 = arith.constant 0 : i32
    %c0_i32_0 = arith.constant 0 : i32
    return %arg0, %c0_i32 : i32, i32
  }
}

</mosaic_0001>

<sc_bundles>
// kernel: kernel.11.cloned.1.call-start
scs
__scs_entry_jumppad:
0x0: {  	(pc) =	sbr.rel $0x88, $3  }
0x1: {  	(tag) =	ssettag $0x0;
	lr =	simm.s32 $0x1  }
0x2: {  	[smem:$0x3F9D] =	sst lr;
	_ =	strace $0xD0000000  }
0x3: {  	_ = 	snop  }
0x4: {  	_ = 	snop  }
0x5: {  	_ = 	snop  }
0x6: {  	_ = 	snop  }
0x7: {  	_ = 	snop  }
__scs_overlays_trampoline_lowered:
0x8: {  	[smem:$0x3FAC] =	sst s0  }
0x9: {  	[smem:$0x3FAD] =	sst s1  }
0xa: {  	[smem:$0x3FAE] =	sst s2  }
0xb: {  	[smem:$0x3FAF] =	sst s3  }
0xc: {  	[smem:$0x3FB0] =	sst s4  }
0xd: {  	[smem:$0x3FB1] =	sst s5  }
0xe: {  	[smem:$0x3FB2] =	sst s6  }
0xf: {  	[smem:$0x3FB3] =	sst s7  }
0x10: {  	[smem:$0x3FB4] =	sst s8  }
0x11: {  	[smem:$0x3FB5] =	sst s9;
	s0 =	simm.s32 @!p0 $0x0  }
0x12: {  	s1 =	sld [smem:$0x3F9B];
	s0 =	simm.s32 @p0 $0x1  }
0x13: {  	[smem:$0x3FB6] =	sst s0;
	s0 =	simm.s32 @!p1 $0x0  }
0x14: {  	s2 =	sld [smem:$0x3F9A];
	s0 =	simm.s32 @p1 $0x1  }
0x15: {  	[smem:$0x3FB7] =	sst s0;
	s0 =	simm.s32 @!p2 $0x0  }
0x16: {  	s3 =	sld [smem:$0x3FDB];
	s0 =	simm.s32 @p2 $0x1  }
0x17: {  	s4 =	simm.s32 $0x1BF5;
	[smem:$0x3FB9] =	sst s0  }
0x18: {  	s0 =	sld [smem:$0x3F9C];
	_ =	swait.ge [sflag:s4], $0x0  }
0x19: {  	s7 =	sld [smem:$0x3F9D]  }
0x1a: {  	s8 =	sadd.s32 $0xFFFFE003, lr  }
0x1b: {  	s9 =	sadd.s32 $0xFFFFFEF7, lr;
	s5 =	simm.s32 $0xFFFFFFFF;
	p2 =	slt.u32 s8, $0xFFFFF086  }
0x1c: {  	p1 =	slt.u32 s9, $0xF7A;
	s5 =	simm.s32 @!p2 $0x0  }
0x1d: {  	s5 =	simm.s32 @p1 $0x1;
	p0 =	seq.s32 s7, s2  }
0x1e: {  	s7 =	smul.u32 @!p0 $0xF7A, s2;
	p2 =	seq.s32 @!p0 s5, $0x0  }
0x1f: {  	s9 =	smul.u32 $0xF7A, s1;
	s8 =	simm.s32 @!p0 $0x1BF5;
	p2 =	por !p2, p0  }
0x20: {  	[sflag:s8] =	ssyncset.s32 @!p0 $0xFFFFF086;
	s6 =	sadd.s32 @!p0 s3, s7;
	s7 =	simm.s32 @!p0 $0x108  }
0x21: {  	s3 =	sadd.s32 s3, s9;
	s6 =	sadd.s32 @!p0 $0x88, s6;
	s7 =	simm.s32 @p2 $0x1082  }
0x22: {  	[simem:s7], [sflag:s8] =	dma.local @!p0 [hbm:s6], $0xF7A  }
0x23: {  	s9 =	sor.u32 $0xD0000000, s2;
	s6 =	simm.s32 $0x108;
	_ =	swait.ge @!p0 [sflag:s8], $0x0  }
0x24: {  	s3 =	sadd.s32 $0x88, s3;
	s6 =	simm.s32 @!p1 $0x1082;
	[sflag:s4] =	ssyncset.s32 $0xFFFFF086  }
0x25: {  	[simem:s6], [sflag:s4] =	dma.local [hbm:s3], $0xF7A  }
0x26: {  	[smem:$0x3F9D] =	sst s1;
	(tag) =	ssettag s2;
	_ =	strace s9  }
0x27: {  	s1 =	sld [smem:$0x3FAD]  }
0x28: {  	s2 =	sld [smem:$0x3FAE]  }
0x29: {  	s4 =	sld [smem:$0x3FB0]  }
0x2a: {  	p0 =	seq.s32 s5, $0x0;
	s5 =	sld [smem:$0x3FB1]  }
0x2b: {  	s6 =	sld [smem:$0x3FB2]  }
0x2c: {  	s7 =	sld [smem:$0x3FB3]  }
0x2d: {  	s3 =	simm.s32 $0x108;
	s8 =	sld [smem:$0x3FB4]  }
0x2e: {  	s3 =	simm.s32 @!p0 $0x1082;
	s9 =	sld [smem:$0x3FB5]  }
0x2f: {  	lr =	sadd.s32 s0, s3;
	s0 =	sld [smem:$0x3FAC]  }
0x30: {  	s3 =	sld [smem:$0x3FAF]  }
0x31: {  	[smem:$0x3FB8] =	sst s10  }
0x32: {  	s10 =	sld [smem:$0x3FB6];
	_ =	sdelay $0x3  }
0x33: {  	p0 =	seq.s32 s10, $0x1;
	s10 =	sld [smem:$0x3FB8];
	_ =	sdelay $0x3  }
0x34: {  	[smem:$0x3FB8] =	sst s10  }
0x35: {  	s10 =	sld [smem:$0x3FB7];
	_ =	sdelay $0x3  }
0x36: {  	p1 =	seq.s32 s10, $0x1;
	s10 =	sld [smem:$0x3FB8];
	_ =	sdelay $0x3  }
0x37: {  	[smem:$0x3FB8] =	sst s10  }
0x38: {  	s10 =	sld [smem:$0x3FB9]  }
0x39: {  	_ = 	snop;
	(pc) =	sbr.ind lr, $3  }
0x3a: {  	_ = 	snop  }
0x3b: {  	_ = 	snop  }
0x3c: {  	p2 =	seq.s32 s10, $0x1;
	s10 =	sld [smem:$0x3FB8]  }
0x3d: {  	_ =	shalt  }
0x3e: {  	_ =	shalt  }
0x3f: {  	_ =	shalt  }
0x40: {  	_ =	shalt  }
0x41: {  	_ =	shalt  }
0x42: {  	_ =	shalt  }
0x43: {  	_ =	shalt  }
0x44: {  	_ =	shalt  }
0x45: {  	_ =	shalt  }
0x46: {  	_ =	shalt  }
0x47: {  	_ =	shalt  }
0x48: {  	_ =	shalt  }
0x49: {  	_ =	shalt  }
0x4a: {  	_ =	shalt  }
0x4b: {  	_ =	shalt  }
0x4c: {  	_ =	shalt  }
0x4d: {  	_ =	shalt  }
0x4e: {  	_ =	shalt  }
0x4f: {  	_ =	shalt  }
0x50: {  	_ =	shalt  }
0x51: {  	_ =	shalt  }
0x52: {  	_ =	shalt  }
0x53: {  	_ =	shalt  }
0x54: {  	_ =	shalt  }
0x55: {  	_ =	shalt  }
0x56: {  	_ =	shalt  }
0x57: {  	_ =	shalt  }
0x58: {  	_ =	shalt  }
0x59: {  	_ =	shalt  }
0x5a: {  	_ =	shalt  }
0x5b: {  	_ =	shalt  }
0x5c: {  	_ =	shalt  }
0x5d: {  	_ =	shalt  }
0x5e: {  	_ =	shalt  }
0x5f: {  	_ =	shalt  }
0x60: {  	_ =	shalt  }
0x61: {  	_ =	shalt  }
0x62: {  	_ =	shalt  }
0x63: {  	_ =	shalt  }
0x64: {  	_ =	shalt  }
0x65: {  	_ =	shalt  }
0x66: {  	_ =	shalt  }
0x67: {  	_ =	shalt  }
0x68: {  	_ =	shalt  }
0x69: {  	_ =	shalt  }
0x6a: {  	_ =	shalt  }
0x6b: {  	_ =	shalt  }
0x6c: {  	_ =	shalt  }
0x6d: {  	_ =	shalt  }
0x6e: {  	_ =	shalt  }
0x6f: {  	_ =	shalt  }
0x70: {  	_ =	shalt  }
0x71: {  	_ =	shalt  }
0x72: {  	_ =	shalt  }
0x73: {  	_ =	shalt  }
0x74: {  	_ =	shalt  }
0x75: {  	_ =	shalt  }
0x76: {  	_ =	shalt  }
0x77: {  	_ =	shalt  }
0x78: {  	_ =	shalt  }
0x79: {  	_ =	shalt  }
0x7a: {  	_ =	shalt  }
0x7b: {  	_ =	shalt  }
0x7c: {  	_ =	shalt  }
0x7d: {  	_ =	shalt  }
0x7e: {  	_ =	shalt  }
0x7f: {  	_ =	shalt  }
0x80: {  	_ =	shalt  }
0x81: {  	_ =	shalt  }
0x82: {  	_ =	shalt  }
0x83: {  	_ =	shalt  }
0x84: {  	_ =	shalt  }
0x85: {  	_ =	shalt  }
0x86: {  	_ =	shalt  }
0x87: {  	_ =	shalt  }
.Lfunc_end0:
.L_simem_size_0:
called_computation.1_lowered:
.L_overlay_start_0:
0x88: {  	s2 =	sld [smem:$0x3FD9]  }
0x89: {  	s3 =	sld [smem:$0x3FFE];
	_ =	sdelay $0x1  }
0x8a: {  	s1 =	srdreg.scid  }
0x8b: {  	s0 =	sand.u32 $0x1, s1  }
0x8c: {  	s17 =	sshll.u32 s0, $0xA;
	s2 =	sadd.s32 s3, s2  }
0x8d: {  	s2 =	sadd.s32 s2, s17  }
0x8e: {  	[smem:$0x3FC4] =	sst s2  }
0x8f: {  	_ = 	snop  }
0x90: {  	s2 =	sld [smem:$0x3FD0];
	(tm) =	ssettm $0x1  }
0x91: {  	s18 =	sld [smem:$0x3FFB];
	_ =	sdelay $0x3  }
0x92: {  	_ =	strace s18  }
0x93: {  	s3 =	sld [smem:$0x3FFC];
	_ =	sdelay $0x3  }
0x94: {  	_ =	strace s3  }
0x95: {  	s3 =	sld [smem:$0x3FFD];
	_ =	sdelay $0x3  }
0x96: {  	_ =	strace s3  }
0x97: {  	_ =	strace $0x8FFFFFFF  }
0x98: {  	s19 =	sld [smem:$0x3FDB];
	_ =	sdelay $0x1  }
0x99: {  	s4 =	simm.s32 $_scs_section_size  }
0x9a: {  	s5 =	simm.s32 $_size__tile_overlayer_lowered;
	s6 =	simm.s32 $_tile_overlayer_lowered  }
0x9b: {  	s22 =	simm.s32 $0x1BFF;
	s21 =	sshll.u32 s6, $0x1;
	s3 =	sadd.s32 s4, s19  }
0x9c: {  	s7 =	simm.s32 $0x0;
	s20 =	sshll.u32 s5, $0x1;
	s5 =	sadd.s32 s21, s3  }
0x9d: {  	[timem:s7], [sflag:s22] =	dma.local [hbm:s5], s20  }
0x9e: {  	_ =	swait.ge [sflag:s22], s20  }
0x9f: {  	s4 =	ssub.s32 $0x0, s20;
	[sflag:s22] =	ssyncset.done $0x0  }
0xa0: {  	[sflag:s22] =	ssyncadd.s32 s4;
	_ =	sdelay $0x1  }
0xa1: {  	s23 =	simm.s32 $0x1B8B  }
0xa2: {  	_ =	swait.ge [sflag:s23], $0x1  }
0xa3: {  	[sflag:s23] =	ssyncset.done $0x0  }
0xa4: {  	s25 =	simm.s32 $0x1B8E;
	s24 =	sld [smem:$0x3FFE];
	[sflag:s23] =	ssyncadd.s32 $0xFFFFFFFF  }
0xa5: {  	s26 =	simm.s32 $execute0_lowered;
	[smem:$0x3FD2] =	sst s25  }
0xa6: {  	s5 =	sshll.u32 s26, $0x1;
	_ =	strace $0x80000049;
	[dreg:$0x1] =	wrdreg $0xFFFFFFFF  }
0xa7: {  	s28 =	simm.s32 $_size_execute0_lowered;
	s3 =	sadd.s32 s3, s5;
	[dreg:$0x0] =	wrdreg $0x0  }
0xa8: {  	s5 =	sshll.u32 s28, $0x1;
	[dreg:$0x2] =	wrdreg s3  }
0xa9: {  	[dreg:$0x3] =	wrdreg s5  }
0xaa: {  	[dreg:$0x4] =	wrdreg $0xC0  }
0xab: {  	_ =	task [dreg:s7], $0x5FFFF  }
0xac: {  	[dreg:$0x1] =	wrdreg $0xFFFFFFFF  }
0xad: {  	[dreg:$0x0] =	wrdreg $0x60  }
0xae: {  	[dreg:$0x2] =	wrdreg s2  }
0xaf: {  	[dreg:$0x3] =	wrdreg s24  }
0xb0: {  	[dreg:$0x4] =	wrdreg $0xA8000  }
0xb1: {  	[dreg:$0x5] =	wrdreg $0x9  }
0xb2: {  	_ =	task.clear_ibuf [dreg:s7], $0x6FFFF;
	_ =	strace $0x90000049  }
0xb3: {  	s29 =	simm.s32 $0x9;
	_ =	strace $0x8000004B  }
0xb4: {  	_ =	swait.ge [sflag:s29], $0x1  }
0xb5: {  	[sflag:s29] =	ssyncadd.s32 $0xFFFFFFFF  }
0xb6: {  	_ =	strace $0x9000004B  }
0xb7: {  	_ =	sfence  }
0xb8: {  	s30 =	sld [smem:$0x0];
	_ =	sdelay $0x2  }
0xb9: {  	s31 =	sshll.u32 s1, $0xD;
	s1 =	sshrl.u32 s1, $0x2  }
0xba: {  	s3 =	sand.u32 $0x4000, s31;
	s1 =	sadd.s32 s1, s30  }
0xbb: {  	s0 =	sor.u32 s3, s0;
	s1 =	sshll.u32 s1, $0x11  }
0xbc: {  	s0 =	sor.u32 s1, s0  }
0xbd: {  	s0 =	sadd.s32 $0x8F2B, s0  }
0xbe: {  	[sflag:s0] =	ssyncadd.remote.s32 $0x1  }
0xbf: {  	_ =	sfence.sel $0xFFFF  }
0xc0: {  	[dreg:$0x0] =	wrdreg $0xFFFFFFFF;
	(pc) =	sbr.abs _section_cstart, $3  }
0xc1: {  	[dreg:$0x1] =	wrdreg $0xFFFFFFFF  }
0xc2: {  	_ =	task.clear_ibuf [dreg:s7], $0x2FFFF;
	_ =	strace $0x9FFFFFFF  }
0xc3: {  	(tm) =	ssettm $0x7FFFFFFF  }
tec
execute0_lowered:
.L_overlay_start_1:
0x0: {  	(tag) =	ssettag $0x1  }
0x1: {  	s1 =	rddreg [dreg:$0x0]  }
0x2: {  	s0 =	rddreg [dreg:$0x1]  }
0x3: {  	s2 =	rddreg [dreg:$0x2]  }
0x4: {  	s3 =	srdreg.scid;
	s5 =	simm.s32 $0x0;
	s9 =	stileid.u32  }
0x5: {  	s15 =	simm.s32 $0x2800;
	s16 =	simm.s32 $0x3;
	s17 =	simm.s32 $0x1400  }
0x6: {  	s18 =	simm.s32 $0x20;
	s19 =	simm.s32 $0x3800;
	s6 =	smul.u32 $0x14000, s9  }
0x7: {  	s28 =	simm.s32 $0x7800;
	s29 =	simm.s32 $0xC0;
	s8 =	smul.u32 $0x78, s9  }
0x8: {  	s30 =	simm.s32 $0x8800;
	s31 =	simm.s32 $0xE0;
	s7 =	smul.u32 $0x28, s9  }
0x9: {  	s11 =	simm.s32 $0x0;
	s3 =	sand.u32 $0x1, s3;
	s9 =	smul.u32 $0x50000, s9  }
0xa: {  	[smem:$0x7FF] =	sst s5;
	s5 =	sadd.s32 $0x15400, s0;
	s4 =	smul.u32 $0x140000, s3  }
0xb: {  	_ =	strace $0x8000004A;
	s20 =	ssub.s32 $0x2, s3;
	p0 =	seq.s32 s3, $0x0  }
0xc: {  	s10 =	sshrl.u32 s20, $0x1;
	s7 =	sadd.s32 $0x780, s7;
	s21 =	sshrl.u32 s9, $0x2  }
0xd: {  	s9 =	simm.s32 $0x2700;
	s4 =	sadd.s32 s6, s4;
	s6 =	sadd.s32 $0x1400, s0  }
0xe: {  	s7 =	smov.u32 @p0 s8;
	s14 =	sadd.s32 s21, s2;
	s21 =	simm.s32 $0x4800  }
0xf: {  	p0 =	sne.s32 s3, $0x0;
	s23 =	sadd.s32 $0x4000, s14;
	[dreg:$0x4] =	wrdreg s14  }
0x10: {  	s3 =	simm.s32 $0x2;
	s24 =	sadd.s32 $0x8000, s14;
	[dreg:$0x7] =	wrdreg s23  }
0x11: {  	s4 =	sshrl.u32 s4, $0x3;
	s25 =	sadd.s32 $0xC000, s14;
	[dreg:$0x8] =	wrdreg s24  }
0x12: {  	s26 =	sadd.s32 $0x10000, s14;
	s0 =	sadd.s32 s4, s0;
	[dreg:$0x9] =	wrdreg s25  }
0x13: {  	s4 =	ssub.s32 s20, s10;
	[dreg:$0xa] =	wrdreg s26;
	s20 =	simm.s32 $0x40  }
0x14: {  	s23 =	simm.s32 $0x5800;
	s24 =	simm.s32 $0x80;
	s25 =	simm.s32 $0x6800  }
0x15: {  	s26 =	simm.s32 $0xA0;
	s10 =	simm.s32 $0x2780;
	s0 =	sadd.s32 $0x1F400, s0  }
0x16: {  	s22 =	smax.u32 s4, $0x1;
	s4 =	simm.s32 $0x1;
	[dreg:$0x5] =	wrdreg s0  }
0x17: {  	v0 =	vimm.f32 $0.0e+00;
	[dreg:$0x6] =	wrdreg s22;
	s22 =	simm.s32 $0x60;
	s0 =	simm.s32 $0x9800  }
.LBB2_1:
0x18: {  	s8 =	simm.s32 $0x0  }
0x19: {  	s12 =	simm.s32 $0x10;
	s13 =	sand.u32 $0x3FF0, s8  }
.LBB2_2:
0x1a: {  	p1 =	sne.s32 s12, $0x3FF0;
	[tilespmem:s13+$0x2800] =	vst v0;
	s8 =	smov.u32 s12;
	s12 =	sadd.s32 $0x10, s12  }
.Ltmp0:
0x1b: {  	(pc) =	sbr.rel @p1 .LBB2_2-.Ltmp0, $2  }
0x1c: {  	_ =	sdelay $0x2  }
0x1d: {  	s13 =	sand.u32 $0x3FF0, s8  }
0x1e: {  	[dreg:$0xb] =	wrdreg s11;
	[tilespmem:s13+$0x2800] =	vst v0  }
0x1f: {  	[spmem:s14] =	stream.linear.scatter [tilespmem:s15], [sflag:$0x3], $0x4000, $0x38;
	[tilespmem:$0x1E800] =	vst v63  }
0x20: {  	_ =	swait.ge [sflag:s16], $0x4000  }
0x21: {  	[sflag:s16] =	ssyncset.done $0x0  }
0x22: {  	s8 =	rddreg [dreg:$0x7];
	[sflag:s16] =	ssyncadd.s32 $0xFFFFC000  }
0x23: {  	[spmem:s8] =	stream.linear.scatter [tilespmem:s15], [sflag:$0x3], $0x4000, $0x38;
	[tilespmem:$0x1E800] =	vst v63  }
0x24: {  	_ =	swait.ge [sflag:s16], $0x4000  }
0x25: {  	[sflag:s16] =	ssyncset.done $0x0  }
0x26: {  	s12 =	rddreg [dreg:$0x8];
	[sflag:s16] =	ssyncadd.s32 $0xFFFFC000  }
0x27: {  	[spmem:s12] =	stream.linear.scatter [tilespmem:s15], [sflag:$0x3], $0x4000, $0x38;
	[tilespmem:$0x1E800] =	vst v63  }
0x28: {  	_ =	swait.ge [sflag:s16], $0x4000  }
0x29: {  	[sflag:s16] =	ssyncset.done $0x0  }
0x2a: {  	s13 =	rddreg [dreg:$0x9];
	[sflag:s16] =	ssyncadd.s32 $0xFFFFC000  }
0x2b: {  	[spmem:s13] =	stream.linear.scatter [tilespmem:s15], [sflag:$0x3], $0x4000, $0x38;
	[tilespmem:$0x1E800] =	vst v63  }
0x2c: {  	_ =	swait.ge [sflag:s16], $0x4000  }
0x2d: {  	[sflag:s16] =	ssyncset.done $0x0  }
0x2e: {  	s14 =	rddreg [dreg:$0xa];
	[sflag:s16] =	ssyncadd.s32 $0xFFFFC000  }
0x2f: {  	[spmem:s14] =	stream.linear.scatter [tilespmem:s15], [sflag:$0x3], $0x4000, $0x38;
	[tilespmem:$0x1E800] =	vst v63  }
0x30: {  	_ =	swait.ge [sflag:s16], $0x4000  }
0x31: {  	[sflag:s16] =	ssyncset.done $0x0  }
0x32: {  	[sflag:s16] =	ssyncadd.s32 $0xFFFFC000  }
0x33: {  	s12 =	simm.s32 $0x0;
	s13 =	simm.s32 $0x0;
	[bflag:$0x0] =	sbarrier.arrive $0xFFFF  }
.LBB2_4:
0x34: {  	s8 =	smul.u32 $0x28, s13;
	_ =	sdelay $0x1  }
0x35: {  	s8 =	sadd.s32 s7, s8  }
0x36: {  	s8 =	sshll.u32 s8, $0x4  }
0x37: {  	s14 =	sadd.s32 s5, s8  }
0x38: {  	[tilespmem:s12], [sflag:$0x3] =	stream.linear.gather [hbm4b:s14+s12], $0x1400, $0x38;
	[tilespmem:$0x1E800] =	vst v63  }
0x39: {  	_ =	swait.ge [sflag:s16], $0x1400  }
0x3a: {  	[sflag:s16] =	ssyncset.done $0x0  }
0x3b: {  	s8 =	sadd.s32 s6, s8;
	[sflag:s16] =	ssyncadd.s32 $0xFFFFEC00  }
0x3c: {  	[tilespmem:s17], [sflag:$0x3] =	stream.linear.gather [hbm4b:s8+s12], $0x1400, $0x38;
	[tilespmem:$0x1E800] =	vst v63  }
0x3d: {  	_ =	swait.ge [sflag:s16], $0x1400  }
0x3e: {  	[sflag:s16] =	ssyncset.done $0x0  }
0x3f: {  	[sflag:s16] =	ssyncadd.s32 $0xFFFFEC00  }
0x40: {  	[tilespmem:s15], [sflag:$0x1] =	stream.indirect.gather [hbm4b:s1+s18], $0x80, s12, s18, $0xb8;
	[tilespmem:$0x1E800] =	vst v63  }
0x41: {  	_ = 	snop  }
0x42: {  	[tilespmem:s19], [sflag:$0x1] =	stream.indirect.gather [hbm4b:s1+s18], $0x80, s18, s18, $0xb8;
	[tilespmem:$0x1E800] =	vst v63  }
0x43: {  	_ = 	snop  }
0x44: {  	[tilespmem:s21], [sflag:$0x1] =	stream.indirect.gather [hbm4b:s1+s18], $0x80, s20, s18, $0xb8;
	[tilespmem:$0x1E800] =	vst v63  }
0x45: {  	_ = 	snop  }
0x46: {  	[tilespmem:s23], [sflag:$0x1] =	stream.indirect.gather [hbm4b:s1+s18], $0x80, s22, s18, $0xb8;
	[tilespmem:$0x1E800] =	vst v63  }
0x47: {  	_ = 	snop  }
0x48: {  	[tilespmem:s25], [sflag:$0x2] =	stream.indirect.gather [hbm4b:s1+s18], $0x80, s24, s18, $0xb8;
	[tilespmem:$0x1E800] =	vst v63  }
0x49: {  	_ = 	snop  }
0x4a: {  	[tilespmem:s28], [sflag:$0x2] =	stream.indirect.gather [hbm4b:s1+s18], $0x80, s26, s18, $0xb8;
	[tilespmem:$0x1E800] =	vst v63  }
0x4b: {  	_ = 	snop  }
0x4c: {  	[tilespmem:s30], [sflag:$0x2] =	stream.indirect.gather [hbm4b:s1+s18], $0x80, s29, s18, $0xb8;
	[tilespmem:$0x1E800] =	vst v63  }
0x4d: {  	_ = 	snop  }
0x4e: {  	[tilespmem:s0], [sflag:$0x2] =	stream.indirect.gather [hbm4b:s1+s18], $0x80, s31, s18, $0xb8;
	[tilespmem:$0x1E800] =	vst v63  }
0x4f: {  	_ =	swait.ge [sflag:s4], $0x4000  }
0x50: {  	[sflag:s4] =	ssyncset.done $0x0  }
0x51: {  	s14 =	simm.s32 $0x1400;
	[sflag:s4] =	ssyncadd.s32 $0xFFFFC000  }
0x52: {  	[spmem:s2] =	stream.indirect.scatter.add.f32 [tilespmem:s15], [sflag:$0x3], $0x80, s14, s24, $0xb8;
	[tilespmem:$0x1E800] =	vst v63  }
0x53: {  	_ =	swait.ge [sflag:s16], $0x4000  }
0x54: {  	[sflag:s16] =	ssyncset.done $0x0  }
0x55: {  	s11 =	simm.s32 $0x100;
	[sflag:s16] =	ssyncadd.s32 $0xFFFFC000  }
0x56: {  	[tilespmem:s15], [sflag:$0x1] =	stream.indirect.gather [hbm4b:s1+s18], $0x80, s11, s18, $0xb8;
	[tilespmem:$0x1E800] =	vst v63  }
0x57: {  	s14 =	simm.s32 $0x120  }
0x58: {  	[tilespmem:s19], [sflag:$0x1] =	stream.indirect.gather [hbm4b:s1+s18], $0x80, s14, s18, $0xb8;
	[tilespmem:$0x1E800] =	vst v63  }
0x59: {  	s11 =	simm.s32 $0x140  }
0x5a: {  	[tilespmem:s21], [sflag:$0x1] =	stream.indirect.gather [hbm4b:s1+s18], $0x80, s11, s18, $0xb8;
	[tilespmem:$0x1E800] =	vst v63  }
0x5b: {  	s14 =	simm.s32 $0x160  }
0x5c: {  	[tilespmem:s23], [sflag:$0x1] =	stream.indirect.gather [hbm4b:s1+s18], $0x80, s14, s18, $0xb8;
	[tilespmem:$0x1E800] =	vst v63  }
0x5d: {  	_ =	swait.ge [sflag:s3], $0x4000  }
0x5e: {  	[sflag:s3] =	ssyncset.done $0x0  }
0x5f: {  	s11 =	simm.s32 $0x1480;
	[sflag:s3] =	ssyncadd.s32 $0xFFFFC000  }
0x60: {  	[spmem:s2] =	stream.indirect.scatter.add.f32 [tilespmem:s25], [sflag:$0x3], $0x80, s11, s24, $0xb8;
	[tilespmem:$0x1E800] =	vst v63  }
0x61: {  	_ =	swait.ge [sflag:s16], $0x4000  }
0x62: {  	[sflag:s16] =	ssyncset.done $0x0  }
0x63: {  	s14 =	simm.s32 $0x180;
	[sflag:s16] =	ssyncadd.s32 $0xFFFFC000  }
0x64: {  	[tilespmem:s25], [sflag:$0x2] =	stream.indirect.gather [hbm4b:s1+s18], $0x80, s14, s18, $0xb8;
	[tilespmem:$0x1E800] =	vst v63  }
0x65: {  	s11 =	simm.s32 $0x1A0  }
0x66: {  	[tilespmem:s28], [sflag:$0x2] =	stream.indirect.gather [hbm4b:s1+s18], $0x80, s11, s18, $0xb8;
	[tilespmem:$0x1E800] =	vst v63  }
0x67: {  	s14 =	simm.s32 $0x1C0  }
0x68: {  	[tilespmem:s30], [sflag:$0x2] =	stream.indirect.gather [hbm4b:s1+s18], $0x80, s14, s18, $0xb8;
	[tilespmem:$0x1E800] =	vst v63  }
0x69: {  	s8 =	simm.s32 $0x1E0;
	s14 =	simm.s32 $0x400  }
.LBB2_5:
0x6a: {  	[tilespmem:s0], [sflag:$0x2] =	stream.indirect.gather [hbm4b:s1+s18], $0x80, s8, s18, $0xb8;
	[tilespmem:$0x1E800] =	vst v63  }
0x6b: {  	s8 =	smov.u32 s14  }
0x6c: {  	p1 =	sne.s32 s14, $0x4800;
	s14 =	sadd.s32 $0x400, s14;
	_ =	swait.ge [sflag:s4], $0x4000  }
0x6d: {  	s8 =	sshra.s32 s8, $0x2;
	[sflag:s4] =	ssyncset.done $0x0  }
0x6e: {  	s11 =	sadd.s32 $0x1400, s8;
	[sflag:s4] =	ssyncadd.s32 $0xFFFFC000  }
0x6f: {  	[spmem:s2] =	stream.indirect.scatter.add.f32 [tilespmem:s15], [sflag:$0x3], $0x80, s11, s24, $0xb8;
	[tilespmem:$0x1E800] =	vst v63  }
0x70: {  	_ =	swait.ge [sflag:s16], $0x4000  }
0x71: {  	[sflag:s16] =	ssyncset.done $0x0  }
0x72: {  	s11 =	sadd.s32 $0x100, s8;
	[sflag:s16] =	ssyncadd.s32 $0xFFFFC000  }
0x73: {  	[tilespmem:s15], [sflag:$0x1] =	stream.indirect.gather [hbm4b:s1+s18], $0x80, s11, s18, $0xb8;
	[tilespmem:$0x1E800] =	vst v63  }
0x74: {  	s11 =	sadd.s32 $0x120, s8  }
0x75: {  	[tilespmem:s19], [sflag:$0x1] =	stream.indirect.gather [hbm4b:s1+s18], $0x80, s11, s18, $0xb8;
	[tilespmem:$0x1E800] =	vst v63  }
0x76: {  	s11 =	sadd.s32 $0x140, s8  }
0x77: {  	[tilespmem:s21], [sflag:$0x1] =	stream.indirect.gather [hbm4b:s1+s18], $0x80, s11, s18, $0xb8;
	[tilespmem:$0x1E800] =	vst v63  }
0x78: {  	s11 =	sadd.s32 $0x160, s8  }
0x79: {  	[tilespmem:s23], [sflag:$0x1] =	stream.indirect.gather [hbm4b:s1+s18], $0x80, s11, s18, $0xb8;
	[tilespmem:$0x1E800] =	vst v63  }
0x7a: {  	_ =	swait.ge [sflag:s3], $0x4000  }
0x7b: {  	[sflag:s3] =	ssyncset.done $0x0  }
0x7c: {  	s11 =	sadd.s32 $0x1480, s8;
	[sflag:s3] =	ssyncadd.s32 $0xFFFFC000  }
0x7d: {  	[spmem:s2] =	stream.indirect.scatter.add.f32 [tilespmem:s25], [sflag:$0x3], $0x80, s11, s24, $0xb8;
	[tilespmem:$0x1E800] =	vst v63  }
0x7e: {  	_ =	swait.ge [sflag:s16], $0x4000  }
0x7f: {  	[sflag:s16] =	ssyncset.done $0x0  }
0x80: {  	s11 =	sadd.s32 $0x180, s8;
	[sflag:s16] =	ssyncadd.s32 $0xFFFFC000  }
0x81: {  	[tilespmem:s25], [sflag:$0x2] =	stream.indirect.gather [hbm4b:s1+s18], $0x80, s11, s18, $0xb8;
	[tilespmem:$0x1E800] =	vst v63  }
.Ltmp1:
0x82: {  	s11 =	sadd.s32 $0x1A0, s8;
	(pc) =	sbr.rel @p1 .LBB2_5-.Ltmp1, $4  }
0x83: {  	[tilespmem:s28], [sflag:$0x2] =	stream.indirect.gather [hbm4b:s1+s18], $0x80, s11, s18, $0xb8;
	[tilespmem:$0x1E800] =	vst v63  }
0x84: {  	s11 =	sadd.s32 $0x1C0, s8  }
0x85: {  	[tilespmem:s30], [sflag:$0x2] =	stream.indirect.gather [hbm4b:s1+s18], $0x80, s11, s18, $0xb8;
	[tilespmem:$0x1E800] =	vst v63  }
0x86: {  	s8 =	sadd.s32 $0x1E0, s8  }
0x87: {  	[tilespmem:s0], [sflag:$0x2] =	stream.indirect.gather [hbm4b:s1+s18], $0x80, s8, s18, $0xb8;
	[tilespmem:$0x1E800] =	vst v63  }
0x88: {  	_ =	swait.ge [sflag:s4], $0x4000  }
0x89: {  	[sflag:s4] =	ssyncset.done $0x0  }
0x8a: {  	[sflag:s4] =	ssyncadd.s32 $0xFFFFC000  }
0x8b: {  	[spmem:s2] =	stream.indirect.scatter.add.f32 [tilespmem:s15], [sflag:$0x3], $0x80, s9, s24, $0xb8;
	[tilespmem:$0x1E800] =	vst v63  }
0x8c: {  	_ =	swait.ge [sflag:s16], $0x4000  }
0x8d: {  	[sflag:s16] =	ssyncset.done $0x0  }
0x8e: {  	[sflag:s16] =	ssyncadd.s32 $0xFFFFC000  }
0x8f: {  	p1 =	slt.u32 @!p0 s13, $0x2;
	_ =	swait.ge [sflag:s3], $0x4000  }
0x90: {  	p1 =	por p0, !p1;
	[sflag:s3] =	ssyncset.done $0x0  }
.Ltmp2:
0x91: {  	[sflag:s3] =	ssyncadd.s32 $0xFFFFC000;
	(pc) =	sbr.rel @!p1 .LBB2_4-.Ltmp2, $4  }
0x92: {  	[spmem:s2] =	stream.indirect.scatter.add.f32 [tilespmem:s25], [sflag:$0x3], $0x80, s10, s24, $0xb8;
	[tilespmem:$0x1E800] =	vst v63  }
0x93: {  	_ =	swait.ge [sflag:s16], $0x4000  }
0x94: {  	[sflag:s16] =	ssyncset.done $0x0  }
0x95: {  	s13 =	sadd.s32 $0x1, s13;
	[sflag:s16] =	ssyncadd.s32 $0xFFFFC000  }
0x96: {  	s8 =	stileid.u32;
	[bflag:$0x0] =	sbarrier.arrive $0xFFFF  }
0x97: {  	s8 =	sshll.u32 s8, $0x6;
	s14 =	rddreg [dreg:$0x4]  }
0x98: {  	s12 =	rddreg [dreg:$0x5];
	s8 =	sor.u32 $0x1C03, s8;
	s11 =	sshrl.u32 s14, $0x3  }
0x99: {  	[hbm:s12], [sflag:s8] =	dma.local [spmem:s11], $0x2800  }
0x9a: {  	_ =	swait.ge [sflag:s16], $0x2800  }
0x9b: {  	s12 =	rddreg [dreg:$0xb]  }
0x9c: {  	s13 =	rddreg [dreg:$0x6];
	s11 =	sadd.s32 $0x1, s12  }
0x9d: {  	p1 =	sne.s32 s11, s13  }
.Ltmp3:
0x9e: {  	_ = 	snop;
	(pc) =	sbr.rel @p1 .LBB2_1-.Ltmp3, $3  }
0x9f: {  	_ =	sdelay $0x1  }
0xa0: {  	[sflag:s16] =	ssyncset.done $0x0  }
0xa1: {  	[sflag:s16] =	ssyncadd.s32 $0xFFFFD800  }
0xa2: {  	_ =	sfence.sel $0x180000  }
0xa3: {  	[bflag:$0x0] =	sbarrier.arrive $0xFFFF  }
0xa4: {  	_ =	strace $0x9000004A  }
0xa5: {  	s0 =	stileid.u32;
	[bflag:$0x2] =	sbarrier.arrive $0xFFFF  }
0xa6: {  	p0 =	sne.s32 s0, $0x0;
	s0 =	rddreg [dreg:$0x3]  }
0xa7: {  	s0 =	sadd.s32 @!p0 $0x100000, s0  }
0xa8: {  	[sflag:s0] =	ssyncadd.tile.s32 @!p0 $0x1;
	_ =	shalt  }
.Lfunc_end2:
_tile_overlayer_lowered:
.L_overlay_start_2:
0xa9: {  	(tag) =	ssettag $0x2  }
0xaa: {  	s0 =	rddreg [dreg:$0x0];
	s2 =	stileid.u32  }
0xab: {  	s1 =	rddreg [dreg:$0x1];
	p0 =	sne.s32 s2, $0x0  }
0xac: {  	s3 =	rddreg [dreg:$0x2];
	[bflag:$0x3] =	sbarrier.arrive $0xFFFF;
	s2 =	simm.s32 @!p0 $0x1C03  }
0xad: {  	[timem:s3], [sflag:s2] =	dma.local @!p0 [hbm:s0], s1  }
0xae: {  	s0 =	simm.s32 @!p0 $0x3  }
0xaf: {  	_ =	swait.ge @!p0 [sflag:s0], s1  }
0xb0: {  	s1 =	ssub.s32 @!p0 $0x0, s1;
	[sflag:s0] =	ssyncset.done @!p0 $0x0  }
0xb1: {  	[sflag:s0] =	ssyncadd.s32 @!p0 s1  }
0xb2: {  	[bflag:$0x3] =	sbarrier.arrive $0xFFFF  }
0xb3: {  	_ =	shalt  }

// kernel: kernel.8.cloned.1.call-start
scs
__scs_entry_jumppad:
0x0: {  	(pc) =	sbr.rel $0x88, $3  }
0x1: {  	(tag) =	ssettag $0x0;
	lr =	simm.s32 $0x1  }
0x2: {  	[smem:$0x3F9D] =	sst lr;
	_ =	strace $0xD0000000  }
0x3: {  	_ = 	snop  }
0x4: {  	_ = 	snop  }
0x5: {  	_ = 	snop  }
0x6: {  	_ = 	snop  }
0x7: {  	_ = 	snop  }
__scs_overlays_trampoline_lowered:
0x8: {  	[smem:$0x3FAC] =	sst s0  }
0x9: {  	[smem:$0x3FAD] =	sst s1  }
0xa: {  	[smem:$0x3FAE] =	sst s2  }
0xb: {  	[smem:$0x3FAF] =	sst s3  }
0xc: {  	[smem:$0x3FB0] =	sst s4  }
0xd: {  	[smem:$0x3FB1] =	sst s5  }
0xe: {  	[smem:$0x3FB2] =	sst s6  }
0xf: {  	[smem:$0x3FB3] =	sst s7  }
0x10: {  	[smem:$0x3FB4] =	sst s8  }
0x11: {  	[smem:$0x3FB5] =	sst s9;
	s0 =	simm.s32 @!p0 $0x0  }
0x12: {  	s1 =	sld [smem:$0x3F9B];
	s0 =	simm.s32 @p0 $0x1  }
0x13: {  	[smem:$0x3FB6] =	sst s0;
	s0 =	simm.s32 @!p1 $0x0  }
0x14: {  	s2 =	sld [smem:$0x3F9A];
	s0 =	simm.s32 @p1 $0x1  }
0x15: {  	[smem:$0x3FB7] =	sst s0;
	s0 =	simm.s32 @!p2 $0x0  }
0x16: {  	s3 =	sld [smem:$0x3FDB];
	s0 =	simm.s32 @p2 $0x1  }
0x17: {  	s4 =	simm.s32 $0x1BF5;
	[smem:$0x3FB9] =	sst s0  }
0x18: {  	s0 =	sld [smem:$0x3F9C];
	_ =	swait.ge [sflag:s4], $0x0  }
0x19: {  	s7 =	sld [smem:$0x3F9D]  }
0x1a: {  	s8 =	sadd.s32 $0xFFFFE003, lr  }
0x1b: {  	s9 =	sadd.s32 $0xFFFFFEF7, lr;
	s5 =	simm.s32 $0xFFFFFFFF;
	p2 =	slt.u32 s8, $0xFFFFF086  }
0x1c: {  	p1 =	slt.u32 s9, $0xF7A;
	s5 =	simm.s32 @!p2 $0x0  }
0x1d: {  	s5 =	simm.s32 @p1 $0x1;
	p0 =	seq.s32 s7, s2  }
0x1e: {  	s7 =	smul.u32 @!p0 $0xF7A, s2;
	p2 =	seq.s32 @!p0 s5, $0x0  }
0x1f: {  	s9 =	smul.u32 $0xF7A, s1;
	s8 =	simm.s32 @!p0 $0x1BF5;
	p2 =	por !p2, p0  }
0x20: {  	[sflag:s8] =	ssyncset.s32 @!p0 $0xFFFFF086;
	s6 =	sadd.s32 @!p0 s3, s7;
	s7 =	simm.s32 @!p0 $0x108  }
0x21: {  	s3 =	sadd.s32 s3, s9;
	s6 =	sadd.s32 @!p0 $0x88, s6;
	s7 =	simm.s32 @p2 $0x1082  }
0x22: {  	[simem:s7], [sflag:s8] =	dma.local @!p0 [hbm:s6], $0xF7A  }
0x23: {  	s9 =	sor.u32 $0xD0000000, s2;
	s6 =	simm.s32 $0x108;
	_ =	swait.ge @!p0 [sflag:s8], $0x0  }
0x24: {  	s3 =	sadd.s32 $0x88, s3;
	s6 =	simm.s32 @!p1 $0x1082;
	[sflag:s4] =	ssyncset.s32 $0xFFFFF086  }
0x25: {  	[simem:s6], [sflag:s4] =	dma.local [hbm:s3], $0xF7A  }
0x26: {  	[smem:$0x3F9D] =	sst s1;
	(tag) =	ssettag s2;
	_ =	strace s9  }
0x27: {  	s1 =	sld [smem:$0x3FAD]  }
0x28: {  	s2 =	sld [smem:$0x3FAE]  }
0x29: {  	s4 =	sld [smem:$0x3FB0]  }
0x2a: {  	p0 =	seq.s32 s5, $0x0;
	s5 =	sld [smem:$0x3FB1]  }
0x2b: {  	s6 =	sld [smem:$0x3FB2]  }
0x2c: {  	s7 =	sld [smem:$0x3FB3]  }
0x2d: {  	s3 =	simm.s32 $0x108;
	s8 =	sld [smem:$0x3FB4]  }
0x2e: {  	s3 =	simm.s32 @!p0 $0x1082;
	s9 =	sld [smem:$0x3FB5]  }
0x2f: {  	lr =	sadd.s32 s0, s3;
	s0 =	sld [smem:$0x3FAC]  }
0x30: {  	s3 =	sld [smem:$0x3FAF]  }
0x31: {  	[smem:$0x3FB8] =	sst s10  }
0x32: {  	s10 =	sld [smem:$0x3FB6];
	_ =	sdelay $0x3  }
0x33: {  	p0 =	seq.s32 s10, $0x1;
	s10 =	sld [smem:$0x3FB8];
	_ =	sdelay $0x3  }
0x34: {  	[smem:$0x3FB8] =	sst s10  }
0x35: {  	s10 =	sld [smem:$0x3FB7];
	_ =	sdelay $0x3  }
0x36: {  	p1 =	seq.s32 s10, $0x1;
	s10 =	sld [smem:$0x3FB8];
	_ =	sdelay $0x3  }
0x37: {  	[smem:$0x3FB8] =	sst s10  }
0x38: {  	s10 =	sld [smem:$0x3FB9]  }
0x39: {  	_ = 	snop;
	(pc) =	sbr.ind lr, $3  }
0x3a: {  	_ = 	snop  }
0x3b: {  	_ = 	snop  }
0x3c: {  	p2 =	seq.s32 s10, $0x1;
	s10 =	sld [smem:$0x3FB8]  }
0x3d: {  	_ =	shalt  }
0x3e: {  	_ =	shalt  }
0x3f: {  	_ =	shalt  }
0x40: {  	_ =	shalt  }
0x41: {  	_ =	shalt  }
0x42: {  	_ =	shalt  }
0x43: {  	_ =	shalt  }
0x44: {  	_ =	shalt  }
0x45: {  	_ =	shalt  }
0x46: {  	_ =	shalt  }
0x47: {  	_ =	shalt  }
0x48: {  	_ =	shalt  }
0x49: {  	_ =	shalt  }
0x4a: {  	_ =	shalt  }
0x4b: {  	_ =	shalt  }
0x4c: {  	_ =	shalt  }
0x4d: {  	_ =	shalt  }
0x4e: {  	_ =	shalt  }
0x4f: {  	_ =	shalt  }
0x50: {  	_ =	shalt  }
0x51: {  	_ =	shalt  }
0x52: {  	_ =	shalt  }
0x53: {  	_ =	shalt  }
0x54: {  	_ =	shalt  }
0x55: {  	_ =	shalt  }
0x56: {  	_ =	shalt  }
0x57: {  	_ =	shalt  }
0x58: {  	_ =	shalt  }
0x59: {  	_ =	shalt  }
0x5a: {  	_ =	shalt  }
0x5b: {  	_ =	shalt  }
0x5c: {  	_ =	shalt  }
0x5d: {  	_ =	shalt  }
0x5e: {  	_ =	shalt  }
0x5f: {  	_ =	shalt  }
0x60: {  	_ =	shalt  }
0x61: {  	_ =	shalt  }
0x62: {  	_ =	shalt  }
0x63: {  	_ =	shalt  }
0x64: {  	_ =	shalt  }
0x65: {  	_ =	shalt  }
0x66: {  	_ =	shalt  }
0x67: {  	_ =	shalt  }
0x68: {  	_ =	shalt  }
0x69: {  	_ =	shalt  }
0x6a: {  	_ =	shalt  }
0x6b: {  	_ =	shalt  }
0x6c: {  	_ =	shalt  }
0x6d: {  	_ =	shalt  }
0x6e: {  	_ =	shalt  }
0x6f: {  	_ =	shalt  }
0x70: {  	_ =	shalt  }
0x71: {  	_ =	shalt  }
0x72: {  	_ =	shalt  }
0x73: {  	_ =	shalt  }
0x74: {  	_ =	shalt  }
0x75: {  	_ =	shalt  }
0x76: {  	_ =	shalt  }
0x77: {  	_ =	shalt  }
0x78: {  	_ =	shalt  }
0x79: {  	_ =	shalt  }
0x7a: {  	_ =	shalt  }
0x7b: {  	_ =	shalt  }
0x7c: {  	_ =	shalt  }
0x7d: {  	_ =	shalt  }
0x7e: {  	_ =	shalt  }
0x7f: {  	_ =	shalt  }
0x80: {  	_ =	shalt  }
0x81: {  	_ =	shalt  }
0x82: {  	_ =	shalt  }
0x83: {  	_ =	shalt  }
0x84: {  	_ =	shalt  }
0x85: {  	_ =	shalt  }
0x86: {  	_ =	shalt  }
0x87: {  	_ =	shalt  }
.Lfunc_end0:
.L_simem_size_0:
called_computation_lowered:
.L_overlay_start_0:
0x88: {  	s2 =	sld [smem:$0x3FD9]  }
0x89: {  	s3 =	sld [smem:$0x3FFE];
	_ =	sdelay $0x1  }
0x8a: {  	s1 =	srdreg.scid  }
0x8b: {  	s0 =	sand.u32 $0x1, s1  }
0x8c: {  	s17 =	sshll.u32 s0, $0xA;
	s2 =	sadd.s32 s3, s2  }
0x8d: {  	s2 =	sadd.s32 s2, s17  }
0x8e: {  	[smem:$0x3FC4] =	sst s2  }
0x8f: {  	_ = 	snop  }
0x90: {  	s2 =	sld [smem:$0x3FD0];
	(tm) =	ssettm $0x1  }
0x91: {  	s18 =	sld [smem:$0x3FFB];
	_ =	sdelay $0x3  }
0x92: {  	_ =	strace s18  }
0x93: {  	s3 =	sld [smem:$0x3FFC];
	_ =	sdelay $0x3  }
0x94: {  	_ =	strace s3  }
0x95: {  	s3 =	sld [smem:$0x3FFD];
	_ =	sdelay $0x3  }
0x96: {  	_ =	strace s3  }
0x97: {  	_ =	strace $0x8FFFFFFF  }
0x98: {  	s19 =	sld [smem:$0x3FDB];
	_ =	sdelay $0x1  }
0x99: {  	s4 =	simm.s32 $_scs_section_size  }
0x9a: {  	s5 =	simm.s32 $_size__tile_overlayer_lowered;
	s6 =	simm.s32 $_tile_overlayer_lowered  }
0x9b: {  	s22 =	simm.s32 $0x1BFF;
	s21 =	sshll.u32 s6, $0x1;
	s3 =	sadd.s32 s4, s19  }
0x9c: {  	s7 =	simm.s32 $0x0;
	s20 =	sshll.u32 s5, $0x1;
	s5 =	sadd.s32 s21, s3  }
0x9d: {  	[timem:s7], [sflag:s22] =	dma.local [hbm:s5], s20  }
0x9e: {  	_ =	swait.ge [sflag:s22], s20  }
0x9f: {  	s4 =	ssub.s32 $0x0, s20;
	[sflag:s22] =	ssyncset.done $0x0  }
0xa0: {  	[sflag:s22] =	ssyncadd.s32 s4;
	_ =	sdelay $0x1  }
0xa1: {  	s23 =	simm.s32 $0x1B8B  }
0xa2: {  	_ =	swait.ge [sflag:s23], $0x1  }
0xa3: {  	[sflag:s23] =	ssyncset.done $0x0  }
0xa4: {  	s25 =	simm.s32 $0x1B8E;
	s24 =	sld [smem:$0x3FFE];
	[sflag:s23] =	ssyncadd.s32 $0xFFFFFFFF  }
0xa5: {  	s26 =	simm.s32 $execute0_lowered;
	[smem:$0x3FD2] =	sst s25  }
0xa6: {  	s5 =	sshll.u32 s26, $0x1;
	_ =	strace $0x80000046;
	[dreg:$0x1] =	wrdreg $0xFFFFFFFF  }
0xa7: {  	s28 =	simm.s32 $_size_execute0_lowered;
	s3 =	sadd.s32 s3, s5;
	[dreg:$0x0] =	wrdreg $0x0  }
0xa8: {  	s5 =	sshll.u32 s28, $0x1;
	[dreg:$0x2] =	wrdreg s3  }
0xa9: {  	[dreg:$0x3] =	wrdreg s5  }
0xaa: {  	[dreg:$0x4] =	wrdreg $0xC0  }
0xab: {  	_ =	task [dreg:s7], $0x5FFFF  }
0xac: {  	[dreg:$0x1] =	wrdreg $0xFFFFFFFF  }
0xad: {  	[dreg:$0x0] =	wrdreg $0x60  }
0xae: {  	[dreg:$0x2] =	wrdreg s2  }
0xaf: {  	[dreg:$0x3] =	wrdreg s24  }
0xb0: {  	[dreg:$0x4] =	wrdreg $0x9  }
0xb1: {  	_ =	task.clear_ibuf [dreg:s7], $0x5FFFF;
	_ =	strace $0x90000046  }
0xb2: {  	s29 =	simm.s32 $0x9;
	_ =	strace $0x80000048  }
0xb3: {  	_ =	swait.ge [sflag:s29], $0x1  }
0xb4: {  	[sflag:s29] =	ssyncadd.s32 $0xFFFFFFFF  }
0xb5: {  	_ =	strace $0x90000048  }
0xb6: {  	_ =	sfence  }
0xb7: {  	s30 =	sld [smem:$0x0];
	_ =	sdelay $0x2  }
0xb8: {  	s31 =	sshll.u32 s1, $0xD;
	s1 =	sshrl.u32 s1, $0x2  }
0xb9: {  	s3 =	sand.u32 $0x4000, s31;
	s1 =	sadd.s32 s1, s30  }
0xba: {  	s0 =	sor.u32 s3, s0;
	s1 =	sshll.u32 s1, $0x11  }
0xbb: {  	s0 =	sor.u32 s1, s0  }
0xbc: {  	s0 =	sadd.s32 $0x8F2B, s0  }
0xbd: {  	[sflag:s0] =	ssyncadd.remote.s32 $0x1  }
0xbe: {  	_ =	sfence.sel $0xFFFF  }
0xbf: {  	[dreg:$0x0] =	wrdreg $0xFFFFFFFF;
	(pc) =	sbr.abs _section_cstart, $3  }
0xc0: {  	[dreg:$0x1] =	wrdreg $0xFFFFFFFF  }
0xc1: {  	_ =	task.clear_ibuf [dreg:s7], $0x2FFFF;
	_ =	strace $0x9FFFFFFF  }
0xc2: {  	(tm) =	ssettm $0x7FFFFFFF  }
0xc3: {  	_ =	shalt  }
tec
execute0_lowered:
.L_overlay_start_1:
0x0: {  	(tag) =	ssettag $0x1  }
0x1: {  	s0 =	srdreg.scid  }
0x2: {  	s3 =	sand.u32 $0x1, s0  }
0x3: {  	s0 =	stileid.u32;
	s1 =	sshll.u32 s3, $0x4  }
0x4: {  	s5 =	rddreg [dreg:$0x0];
	s4 =	sor.u32 s0, s1  }
0x5: {  	s6 =	rddreg [dreg:$0x1];
	s2 =	simm.s32 $0x0;
	s1 =	sshrl.u32 s4, $0x3  }
0x6: {  	s9 =	simm.s32 $0x400;
	s8 =	sshll.u32 s0, $0x7;
	s7 =	smul.u32 $0x14000, s1  }
0x7: {  	s10 =	simm.s32 $0x0;
	s3 =	ssub.s32 $0x2, s3;
	s8 =	sand.u32 $0x380, s8  }
0x8: {  	[smem:$0x7FF] =	sst s2;
	s31 =	sshrl.u32 s3, $0x1;
	s7 =	sor.u32 s8, s7  }
0x9: {  	s4 =	smul.u32 $0x500, s4;
	s1 =	rddreg [dreg:$0x2];
	s7 =	sshrl.u32 s7, $0x3  }
0xa: {  	_ =	strace $0x80000047;
	s8 =	simm.s32 $0x80;
	s6 =	sadd.s32 s7, s6  }
0xb: {  	s7 =	ssub.s32 s3, s31;
	s3 =	sadd.s32 s5, s4;
	s4 =	sadd.s32 $0xB400, s6  }
0xc: {  	v0 =	vimm.f32 $0.0e+00;
	v1 =	vimm.f32 $1.000000000e+00;
	s5 =	smax.u32 s7, $0x1;
	s6 =	simm.s32 $0x1;
	s7 =	simm.s32 $0x2800  }
.LBB2_1:
0xd: {  	[tilespmem:s2], [sflag:$0x1] =	stream.linear.gather [hbm4b:s3+s2], $0x2800, $0x38;
	[tilespmem:$0x5000] =	vst v63  }
0xe: {  	_ =	swait.ge [sflag:s6], $0x2800  }
0xf: {  	[sflag:s6] =	ssyncset.done $0x0  }
0x10: {  	s11 =	simm.s32 $0x0;
	[sflag:s6] =	ssyncadd.s32 $0xFFFFD800  }
.LBB2_2:
0x11: {  	p0 =	sne.s32 s11, $0x9FC0  }
.Ltmp0:
0x12: {  	_ = 	snop;
	(pc) =	sbr.rel @p0 .LBB2_2-.Ltmp0, $3  }
0x13: {  	_ =	sdelay $0x1  }
0x14: {  	s12 =	sshra.s32 s11, $0x2  }
0x15: {  	s11 =	sadd.s32 $0x40, s11;
	[tilespmem:s12+$0x2800] =	vst v0  }
0x16: {  	s12 =	simm.s32 $0x0;
	s11 =	simm.s32 $0x40  }
.LBB2_4:
0x17: {  	p0 =	sne.s32 s11, $0x9FC0;
	v2 =	vld [tilespmem:s12+$0x0];
	_ =	sdelay $0x3  }
.Ltmp1:
0x18: {  	(pc) =	sbr.rel @p0 .LBB2_4-.Ltmp1, $2  }
0x19: {  	_ =	sdelay $0x2  }
0x1a: {  	s12 =	sshra.s32 s11, $0x2;
	s11 =	sadd.s32 $0x40, s11;
	[tilespmem:v2+s7+$0x0] =	vst.idx.add.f32.msk $0xffff, v1  }
0x1b: {  	v2 =	vld [tilespmem:s12+$0x0];
	_ =	sdelay $0x5  }
0x1c: {  	s10 =	sadd.s32 $0x1, s10  }
0x1d: {  	p0 =	sne.s32 s10, s5  }
.Ltmp2:
0x1e: {  	[tilespmem:v2+s7+$0x0] =	vst.idx.add.f32.msk $0xffff, v1;
	(pc) =	sbr.rel @p0 .LBB2_1-.Ltmp2, $4  }
0x1f: {  	[hbm4b:s4+s8] =	stream.strided.scatter [tilespmem:s7], [sflag:$0x1], $0x2800, s9, s8, $0x38;
	[tilespmem:$0x5000] =	vst v63  }
0x20: {  	_ =	swait.ge [sflag:s6], $0x2800  }
0x21: {  	[sflag:s6] =	ssyncset.done $0x0  }
0x22: {  	[sflag:s6] =	ssyncadd.s32 $0xFFFFD800  }
0x23: {  	_ =	sfence.sel $0x180000  }
0x24: {  	[bflag:$0x0] =	sbarrier.arrive $0xFFFF  }
0x25: {  	p0 =	sne.s32 s0, $0x0;
	_ =	strace $0x90000047  }
0x26: {  	s0 =	sadd.s32 @!p0 $0x100000, s1;
	[bflag:$0x2] =	sbarrier.arrive $0xFFFF  }
0x27: {  	[sflag:s0] =	ssyncadd.tile.s32 @!p0 $0x1;
	_ =	shalt  }
.Lfunc_end2:
_tile_overlayer_lowered:
.L_overlay_start_2:
0x28: {  	(tag) =	ssettag $0x2  }
0x29: {  	s0 =	rddreg [dreg:$0x0];
	s2 =	stileid.u32  }
0x2a: {  	s1 =	rddreg [dreg:$0x1];
	p0 =	sne.s32 s2, $0x0  }
0x2b: {  	s3 =	rddreg [dreg:$0x2];
	[bflag:$0x3] =	sbarrier.arrive $0xFFFF;
	s2 =	simm.s32 @!p0 $0x1C01  }
0x2c: {  	[timem:s3], [sflag:s2] =	dma.local @!p0 [hbm:s0], s1  }
0x2d: {  	s0 =	simm.s32 @!p0 $0x1  }
0x2e: {  	_ =	swait.ge @!p0 [sflag:s0], s1  }
0x2f: {  	s1 =	ssub.s32 @!p0 $0x0, s1;
	[sflag:s0] =	ssyncset.done @!p0 $0x0  }
0x30: {  	[sflag:s0] =	ssyncadd.s32 @!p0 s1  }
0x31: {  	[bflag:$0x3] =	sbarrier.arrive $0xFFFF  }
0x32: {  	_ =	shalt  }

</sc_bundles>
